<compile_context>
chip_gen: v7x
topology: tpu7x:2x2x1
jax: 0.10.2.dev20260603
libtpu: 0.0.44.dev20260713+nightly
codegen_flags: <defaults>
</compile_context>

<pallas_src>
import functools
import math

import jax
import jax.numpy as jnp
from jax import lax
from jax.experimental import pallas as pl
from jax.experimental.pallas import tpu as pltpu
from jax.experimental.pallas import tpu_sc as plsc

_INV_SQRT2 = 1.0 / math.sqrt(2.0)
_SCB = 8
_SLAB = 16
_CH = 2


def _tc_pool_body(x_ref, o_ref, pooled_ref, *, nb, h):
    i = pl.program_id(0)
    s = x_ref[:, 0:8]
    for t in range(1, h // 8):
        s = s + x_ref[:, 8 * t:8 * t + 8]
    pooled_ref[pl.ds(i, 1), :] = jnp.sum(s, axis=(1, 2))

    @pl.when(i == nb - 1)
    def _done():
        o_ref[...] = pooled_ref[...]


def _make_sc_pool(B, H, W, C):
    nw_per_b = H // _SLAB
    mesh = plsc.VectorSubcoreMesh(core_axis_name="c", subcore_axis_name="s")

    @functools.partial(
        pl.kernel,
        out_type=jax.ShapeDtypeStruct((nw_per_b, _SCB, C), jnp.float32),
        mesh=mesh,
        scratch_types=[
            pltpu.VMEM((_CH, W, C), jnp.float32),
            pltpu.VMEM((_CH, W, C), jnp.float32),
            pltpu.VMEM((C,), jnp.float32),
            pltpu.SemaphoreType.DMA,
            pltpu.SemaphoreType.DMA,
        ],
    )
    def sc_pool(x_hbm, out_hbm, buf0, buf1, stage, s0, s1):
        nc = 2
        wid = lax.axis_index("s") * nc + lax.axis_index("c")
        q = wid % _SCB
        j = wid // _SCB
        b = (B - _SCB) + q
        h0 = j * _SLAB
        bufs = [buf0, buf1]
        sems = [s0, s1]
        nchunk = _SLAB // _CH

        def start(kc, jj):
            pltpu.make_async_copy(
                x_hbm.at[b, pl.ds(h0 + kc * _CH, _CH)],
                bufs[jj], sems[jj]).start()

        def wait(jj):
            pltpu.make_async_copy(
                x_hbm.at[b, pl.ds(h0, _CH)], bufs[jj], sems[jj]).wait()

        start(0, 0)
        ngr = C // 16

        accs = [jnp.zeros((16,), jnp.float32) for _ in range(ngr)]
        for kc in range(nchunk):
            jj = kc % 2
            wait(jj)
            if kc + 1 < nchunk:
                start(kc + 1, (kc + 1) % 2)
            buf = bufs[jj]

            def body(p, accs):
                a = p // W
                ww = p % W
                return tuple(
                    accs[g] + buf[a, ww, pl.ds(g * 16, 16)]
                    for g in range(ngr)
                )

            accs = lax.fori_loop(0, _CH * W, body, tuple(accs))

        for g in range(ngr):
            stage[pl.ds(g * 16, 16)] = accs[g]
        pltpu.sync_copy(stage, out_hbm.at[j, q])

    return sc_pool


def _mlp_body(ptc_ref, parts_ref, w1_ref, b1_ref, w2_ref, b2_ref, o_ref,
              *, nslab, inv_hw):
    psc = parts_ref[0]
    for j in range(1, nslab):
        psc = psc + parts_ref[j]
    p = jnp.concatenate([ptc_ref[...], psc], axis=0) * inv_hw
    hpre = jnp.dot(p, w1_ref[...],
                   preferred_element_type=jnp.float32,
                   precision=jax.lax.Precision.HIGHEST) + b1_ref[...]
    hact = 0.5 * hpre * (1.0 + jax.lax.erf(hpre * _INV_SQRT2))
    logits = jnp.dot(hact, w2_ref[...],
                     preferred_element_type=jnp.float32,
                     precision=jax.lax.Precision.HIGHEST) + b2_ref[...]
    mx = jnp.max(logits, axis=-1, keepdims=True)
    e = jnp.exp(logits - mx)
    o_ref[...] = e / jnp.sum(e, axis=-1, keepdims=True)


@jax.jit
def kernel(img_emb, W1, b1, W2, b2):
    B, C, H, W = img_emb.shape
    HID = W1.shape[1]
    E = W2.shape[1]
    inv_hw = 1.0 / (H * W)
    NTC = B - _SCB

    xt = jnp.transpose(img_emb, (0, 2, 3, 1))

    pooled_tc = pl.pallas_call(
        functools.partial(_tc_pool_body, nb=NTC, h=H),
        grid=(NTC,),
        in_specs=[pl.BlockSpec((1, H, W, C), lambda i: (i, 0, 0, 0))],
        out_specs=pl.BlockSpec((NTC, C), lambda i: (0, 0)),
        out_shape=jax.ShapeDtypeStruct((NTC, C), jnp.float32),
        scratch_shapes=[pltpu.VMEM((NTC, C), jnp.float32)],
    )(xt)

    parts = _make_sc_pool(B, H, W, C)(xt)

    out = pl.pallas_call(
        functools.partial(_mlp_body, nslab=H // _SLAB, inv_hw=inv_hw),
        in_specs=[
            pl.BlockSpec((NTC, C), lambda: (0, 0)),
            pl.BlockSpec((H // _SLAB, _SCB, C), lambda: (0, 0, 0)),
            pl.BlockSpec((C, HID), lambda: (0, 0)),
            pl.BlockSpec((1, HID), lambda: (0, 0)),
            pl.BlockSpec((HID, E), lambda: (0, 0)),
            pl.BlockSpec((1, E), lambda: (0, 0)),
        ],
        out_specs=pl.BlockSpec((B, E), lambda: (0, 0)),
        out_shape=jax.ShapeDtypeStruct((B, E), jnp.float32),
    )(pooled_tc, parts, W1, b1.reshape(1, -1), W2, b2.reshape(1, -1))
    return out

# --- scband reference (transcript-rebuilt; emitter-appended) ---
"""Pipeline reference for scband-component3-routing-gate-17437567222015 (READ-ONLY COPY).

The authoritative reference and input builder live on the scoring server;
editing this copy changes nothing except your own understanding.
"""

import jax, jax.numpy as jnp
import numpy as np

IN_CHANNELS = 256
HIDDEN_DIM = 128
NUM_EXPERTS = 4
TEMPERATURE = 1.0


def setup_inputs(seed: int = 0) -> dict:
    key = jax.random.key(seed)
    k_img, k_w1, k_b1, k_w2, k_b2 = jax.random.split(key, 5)
    B = 32
    img_emb = jax.random.normal(k_img, (B, IN_CHANNELS, 64, 64), dtype=jnp.float32)
    # gate = Linear(256,128) -> GELU -> Dropout (eval no-op) -> Linear(128,4)
    bound1 = 1.0 / np.sqrt(IN_CHANNELS)
    W1 = jax.random.uniform(k_w1, (IN_CHANNELS, HIDDEN_DIM), minval=-bound1, maxval=bound1, dtype=jnp.float32)
    b1 = jax.random.uniform(k_b1, (HIDDEN_DIM,), minval=-bound1, maxval=bound1, dtype=jnp.float32)
    bound2 = 1.0 / np.sqrt(HIDDEN_DIM)
    W2 = jax.random.uniform(k_w2, (HIDDEN_DIM, NUM_EXPERTS), minval=-bound2, maxval=bound2, dtype=jnp.float32)
    b2 = jax.random.uniform(k_b2, (NUM_EXPERTS,), minval=-bound2, maxval=bound2, dtype=jnp.float32)
    return {"img_emb": img_emb, "W1": W1, "b1": b1, "W2": W2, "b2": b2}


def reference(img_emb, W1, b1, W2, b2):
    # AdaptiveAvgPool2d(1) -> global average pool over H, W, then flatten
    pooled = jnp.mean(img_emb, axis=(2, 3))  # [B, C]
    # gate MLP (dropout is identity in eval)
    h = jax.nn.gelu(pooled @ W1 + b1, approximate=False)
    logits = h @ W2 + b2
    # dense mode: top_k is None, so softmax weights are returned directly
    weights = jax.nn.softmax(logits / TEMPERATURE, axis=-1)
    return weights

if __name__ == "__main__":
    import jax
    _d = setup_inputs()
    print(jax.jit(kernel)(*tuple(_d.values())))

</pallas_src>

<mosaic_0001>
#map = affine_map<(d0, d1) -> (0, 0, 0, 0)>
#map1 = affine_map<(d0, d1) -> (0, 0, 0)>
module attributes {stable_mosaic.version = 14 : i64} {
  func.func @sc_pool(%arg0: i32, %arg1: i32, %arg2: memref<32x64x64x256xf32, #tpu.memory_space<hbm>>, %arg3: memref<4x8x256xf32, #tpu.memory_space<hbm>>, %arg4: memref<2x64x256xf32, #tpu.memory_space<vmem>>, %arg5: memref<2x64x256xf32, #tpu.memory_space<vmem>>, %arg6: memref<256xf32, #tpu.memory_space<vmem>>, %arg7: memref<!tpu.dma_semaphore, #tpu.memory_space<semaphore_mem>>, %arg8: memref<!tpu.dma_semaphore, #tpu.memory_space<semaphore_mem>>) attributes {dimension_semantics = [#tpu.dimension_semantics<core_parallel>, #tpu.dimension_semantics<subcore_parallel>], iteration_bounds = array<i64: 2, 16>, scalar_prefetch = 0 : i64, scratch_operands = 5 : i64, tpu.core_type = #tpu.core_type<sc_vector_subcore>, window_params = [{transform_indices = #map}, {transform_indices = #map1}]} {
    %mul3A = arith.constant 2 : i32
    %mul3A_0 = arith.muli %arg1, %mul3A : i32
    %add3A = arith.addi %mul3A_0, %arg0 : i32
    %jit3A = arith.constant 8 : i32
    %eq3A = arith.constant 0 : i32
    %eq3A_1 = arith.cmpi eq, %jit3A, %eq3A : i32
    %jit3A_2 = arith.constant 1 : i32
    %select_n3A = arith.select %eq3A_1, %jit3A_2, %jit3A : i32
    %rem3A = arith.remsi %add3A, %select_n3A : i32
    %ne3A = arith.constant 0 : i32
    %ne3A_3 = arith.cmpi ne, %rem3A, %ne3A : i32
    %lt3A = arith.constant 0 : i32
    %lt3A_4 = arith.cmpi slt, %rem3A, %lt3A : i32
    %lt3A_5 = arith.constant 0 : i32
    %lt3A_6 = arith.cmpi slt, %select_n3A, %lt3A_5 : i32
    %ne3A_7 = arith.xori %lt3A_4, %lt3A_6 : i1
    %and3A = arith.andi %ne3A_7, %ne3A_3 : i1
    %add3A_8 = arith.addi %rem3A, %select_n3A : i32
    %select_n3A_9 = arith.select %and3A, %add3A_8, %rem3A : i32
    %jit3A_10 = arith.constant 8 : i32
    %div3A = arith.divsi %add3A, %jit3A_10 : i32
    %sign3A = arith.constant 0 : i32
    %sign3A_11 = arith.cmpi sgt, %add3A, %sign3A : i32
    %sign3A_12 = arith.extui %sign3A_11 : i1 to i32
    %sign3A_13 = arith.constant 0 : i32
    %sign3A_14 = arith.cmpi slt, %add3A, %sign3A_13 : i32
    %sign3A_15 = arith.extui %sign3A_14 : i1 to i32
    %sign3A_16 = arith.subi %sign3A_12, %sign3A_15 : i32
    %sign3A_17 = arith.constant 0 : i32
    %sign3A_18 = arith.cmpi sgt, %jit3A_10, %sign3A_17 : i32
    %sign3A_19 = arith.extui %sign3A_18 : i1 to i32
    %sign3A_20 = arith.constant 0 : i32
    %sign3A_21 = arith.cmpi slt, %jit3A_10, %sign3A_20 : i32
    %sign3A_22 = arith.extui %sign3A_21 : i1 to i32
    %sign3A_23 = arith.subi %sign3A_19, %sign3A_22 : i32
    %ne3A_24 = arith.cmpi ne, %sign3A_16, %sign3A_23 : i32
    %rem3A_25 = arith.remsi %add3A, %jit3A_10 : i32
    %ne3A_26 = arith.constant 0 : i32
    %ne3A_27 = arith.cmpi ne, %rem3A_25, %ne3A_26 : i32
    %and3A_28 = arith.andi %ne3A_24, %ne3A_27 : i1
    %sub3A = arith.constant 1 : i32
    %sub3A_29 = arith.subi %div3A, %sub3A : i32
    %select_n3A_30 = arith.select %and3A_28, %sub3A_29, %div3A : i32
    %add3A_31 = arith.constant 24 : i32
    %add3A_32 = arith.addi %add3A_31, %select_n3A_9 : i32
    %mul3A_33 = arith.constant 16 : i32
    %mul3A_34 = arith.muli %select_n3A_30, %mul3A_33 : i32
    %add3A_35 = arith.constant 0 : i32
    %add3A_36 = arith.addi %mul3A_34, %add3A_35 : i32
    %dma_start3A = arith.constant 0 : i32
    %dma_start3A_37 = arith.constant 0 : i32
    %dma_start3A_38 = tpu.memref_slice %arg2[%add3A_32, %add3A_36, %dma_start3A, %dma_start3A_37] : memref<32x64x64x256xf32, #tpu.memory_space<hbm>> -> memref<1x2x64x256xf32, #tpu.memory_space<hbm>>
    %dma_start3A_39 = tpu.memref_squeeze %dma_start3A_38 : memref<1x2x64x256xf32, #tpu.memory_space<hbm>> -> memref<2x64x256xf32, #tpu.memory_space<hbm>>
    %dma_start3A_40 = arith.constant 0 : i32
    %dma_start3A_41 = arith.constant 0 : i32
    %dma_start3A_42 = tpu.memref_slice %arg2[%add3A_32, %add3A_36, %dma_start3A_40, %dma_start3A_41] : memref<32x64x64x256xf32, #tpu.memory_space<hbm>> -> memref<1x2x64x256xf32, #tpu.memory_space<hbm>>
    %dma_start3A_43 = tpu.memref_squeeze %dma_start3A_42 : memref<1x2x64x256xf32, #tpu.memory_space<hbm>> -> memref<2x64x256xf32, #tpu.memory_space<hbm>>
    tpu.enqueue_dma source(%dma_start3A_43 : memref<2x64x256xf32, #tpu.memory_space<hbm>>) target(%arg4 : memref<2x64x256xf32, #tpu.memory_space<vmem>>) target_semaphore(%arg7 : memref<!tpu.dma_semaphore, #tpu.memory_space<semaphore_mem>>)
    %broadcast_in_dim3A = arith.constant 0.000000e+00 : f32
    %broadcast_in_dim3A_44 = vector.broadcast %broadcast_in_dim3A : f32 to vector<16xf32>
    %broadcast_in_dim3A_45 = arith.constant 0.000000e+00 : f32
    %broadcast_in_dim3A_46 = vector.broadcast %broadcast_in_dim3A_45 : f32 to vector<16xf32>
    %broadcast_in_dim3A_47 = arith.constant 0.000000e+00 : f32
    %broadcast_in_dim3A_48 = vector.broadcast %broadcast_in_dim3A_47 : f32 to vector<16xf32>
    %broadcast_in_dim3A_49 = arith.constant 0.000000e+00 : f32
    %broadcast_in_dim3A_50 = vector.broadcast %broadcast_in_dim3A_49 : f32 to vector<16xf32>
    %broadcast_in_dim3A_51 = arith.constant 0.000000e+00 : f32
    %broadcast_in_dim3A_52 = vector.broadcast %broadcast_in_dim3A_51 : f32 to vector<16xf32>
    %broadcast_in_dim3A_53 = arith.constant 0.000000e+00 : f32
    %broadcast_in_dim3A_54 = vector.broadcast %broadcast_in_dim3A_53 : f32 to vector<16xf32>
    %broadcast_in_dim3A_55 = arith.constant 0.000000e+00 : f32
    %broadcast_in_dim3A_56 = vector.broadcast %broadcast_in_dim3A_55 : f32 to vector<16xf32>
    %broadcast_in_dim3A_57 = arith.constant 0.000000e+00 : f32
    %broadcast_in_dim3A_58 = vector.broadcast %broadcast_in_dim3A_57 : f32 to vector<16xf32>
    %broadcast_in_dim3A_59 = arith.constant 0.000000e+00 : f32
    %broadcast_in_dim3A_60 = vector.broadcast %broadcast_in_dim3A_59 : f32 to vector<16xf32>
    %broadcast_in_dim3A_61 = arith.constant 0.000000e+00 : f32
    %broadcast_in_dim3A_62 = vector.broadcast %broadcast_in_dim3A_61 : f32 to vector<16xf32>
    %broadcast_in_dim3A_63 = arith.constant 0.000000e+00 : f32
    %broadcast_in_dim3A_64 = vector.broadcast %broadcast_in_dim3A_63 : f32 to vector<16xf32>
    %broadcast_in_dim3A_65 = arith.constant 0.000000e+00 : f32
    %broadcast_in_dim3A_66 = vector.broadcast %broadcast_in_dim3A_65 : f32 to vector<16xf32>
    %broadcast_in_dim3A_67 = arith.constant 0.000000e+00 : f32
    %broadcast_in_dim3A_68 = vector.broadcast %broadcast_in_dim3A_67 : f32 to vector<16xf32>
    %broadcast_in_dim3A_69 = arith.constant 0.000000e+00 : f32
    %broadcast_in_dim3A_70 = vector.broadcast %broadcast_in_dim3A_69 : f32 to vector<16xf32>
    %broadcast_in_dim3A_71 = arith.constant 0.000000e+00 : f32
    %broadcast_in_dim3A_72 = vector.broadcast %broadcast_in_dim3A_71 : f32 to vector<16xf32>
    %broadcast_in_dim3A_73 = arith.constant 0.000000e+00 : f32
    %broadcast_in_dim3A_74 = vector.broadcast %broadcast_in_dim3A_73 : f32 to vector<16xf32>
    %dma_wait3A = arith.constant 0 : i32
    %dma_wait3A_75 = arith.constant 0 : i32
    %dma_wait3A_76 = tpu.memref_slice %arg2[%add3A_32, %mul3A_34, %dma_wait3A, %dma_wait3A_75] : memref<32x64x64x256xf32, #tpu.memory_space<hbm>> -> memref<1x2x64x256xf32, #tpu.memory_space<hbm>>
    %dma_wait3A_77 = tpu.memref_squeeze %dma_wait3A_76 : memref<1x2x64x256xf32, #tpu.memory_space<hbm>> -> memref<2x64x256xf32, #tpu.memory_space<hbm>>
    %dma_wait3A_78 = arith.constant 0 : i32
    %dma_wait3A_79 = arith.constant 0 : i32
    %dma_wait3A_80 = tpu.memref_slice %arg2[%add3A_32, %mul3A_34, %dma_wait3A_78, %dma_wait3A_79] : memref<32x64x64x256xf32, #tpu.memory_space<hbm>> -> memref<1x2x64x256xf32, #tpu.memory_space<hbm>>
    %dma_wait3A_81 = tpu.memref_squeeze %dma_wait3A_80 : memref<1x2x64x256xf32, #tpu.memory_space<hbm>> -> memref<2x64x256xf32, #tpu.memory_space<hbm>>
    tpu.wait_dma2 semaphore(%arg7 : memref<!tpu.dma_semaphore, #tpu.memory_space<semaphore_mem>>) src(%dma_wait3A_81 : memref<2x64x256xf32, #tpu.memory_space<hbm>>) dst(%arg4 : memref<2x64x256xf32, #tpu.memory_space<vmem>>)
    %add3A_82 = arith.constant 2 : i32
    %add3A_83 = arith.addi %mul3A_34, %add3A_82 : i32
    %dma_start3A_84 = arith.constant 0 : i32
    %dma_start3A_85 = arith.constant 0 : i32
    %dma_start3A_86 = tpu.memref_slice %arg2[%add3A_32, %add3A_83, %dma_start3A_84, %dma_start3A_85] : memref<32x64x64x256xf32, #tpu.memory_space<hbm>> -> memref<1x2x64x256xf32, #tpu.memory_space<hbm>>
    %dma_start3A_87 = tpu.memref_squeeze %dma_start3A_86 : memref<1x2x64x256xf32, #tpu.memory_space<hbm>> -> memref<2x64x256xf32, #tpu.memory_space<hbm>>
    %dma_start3A_88 = arith.constant 0 : i32
    %dma_start3A_89 = arith.constant 0 : i32
    %dma_start3A_90 = tpu.memref_slice %arg2[%add3A_32, %add3A_83, %dma_start3A_88, %dma_start3A_89] : memref<32x64x64x256xf32, #tpu.memory_space<hbm>> -> memref<1x2x64x256xf32, #tpu.memory_space<hbm>>
    %dma_start3A_91 = tpu.memref_squeeze %dma_start3A_90 : memref<1x2x64x256xf32, #tpu.memory_space<hbm>> -> memref<2x64x256xf32, #tpu.memory_space<hbm>>
    tpu.enqueue_dma source(%dma_start3A_91 : memref<2x64x256xf32, #tpu.memory_space<hbm>>) target(%arg5 : memref<2x64x256xf32, #tpu.memory_space<vmem>>) target_semaphore(%arg8 : memref<!tpu.dma_semaphore, #tpu.memory_space<semaphore_mem>>)
    %scan3A = arith.constant 0 : i32
    %scan3A_92 = arith.constant 128 : i32
    %scan3A_93 = arith.addi %scan3A, %scan3A_92 : i32
    %scan3A_94 = arith.constant 1 : i32
    %scan3A_95:16 = scf.for %scan3A_318 = %scan3A to %scan3A_93 step %scan3A_94 iter_args(%scan3A_319 = %broadcast_in_dim3A_44, %scan3A_320 = %broadcast_in_dim3A_46, %scan3A_321 = %broadcast_in_dim3A_48, %scan3A_322 = %broadcast_in_dim3A_50, %scan3A_323 = %broadcast_in_dim3A_52, %scan3A_324 = %broadcast_in_dim3A_54, %scan3A_325 = %broadcast_in_dim3A_56, %scan3A_326 = %broadcast_in_dim3A_58, %scan3A_327 = %broadcast_in_dim3A_60, %scan3A_328 = %broadcast_in_dim3A_62, %scan3A_329 = %broadcast_in_dim3A_64, %scan3A_330 = %broadcast_in_dim3A_66, %scan3A_331 = %broadcast_in_dim3A_68, %scan3A_332 = %broadcast_in_dim3A_70, %scan3A_333 = %broadcast_in_dim3A_72, %scan3A_334 = %broadcast_in_dim3A_74) -> (vector<16xf32>, vector<16xf32>, vector<16xf32>, vector<16xf32>, vector<16xf32>, vector<16xf32>, vector<16xf32>, vector<16xf32>, vector<16xf32>, vector<16xf32>, vector<16xf32>, vector<16xf32>, vector<16xf32>, vector<16xf32>, vector<16xf32>, vector<16xf32>)  : i32 {
      %jit3A_335 = arith.constant 64 : i32
      %div3A_336 = arith.divsi %scan3A_318, %jit3A_335 : i32
      %sign3A_337 = arith.constant 0 : i32
      %sign3A_338 = arith.cmpi sgt, %scan3A_318, %sign3A_337 : i32
      %sign3A_339 = arith.extui %sign3A_338 : i1 to i32
      %sign3A_340 = arith.constant 0 : i32
      %sign3A_341 = arith.cmpi slt, %scan3A_318, %sign3A_340 : i32
      %sign3A_342 = arith.extui %sign3A_341 : i1 to i32
      %sign3A_343 = arith.subi %sign3A_339, %sign3A_342 : i32
      %sign3A_344 = arith.constant 0 : i32
      %sign3A_345 = arith.cmpi sgt, %jit3A_335, %sign3A_344 : i32
      %sign3A_346 = arith.extui %sign3A_345 : i1 to i32
      %sign3A_347 = arith.constant 0 : i32
      %sign3A_348 = arith.cmpi slt, %jit3A_335, %sign3A_347 : i32
      %sign3A_349 = arith.extui %sign3A_348 : i1 to i32
      %sign3A_350 = arith.subi %sign3A_346, %sign3A_349 : i32
      %ne3A_351 = arith.cmpi ne, %sign3A_343, %sign3A_350 : i32
      %rem3A_352 = arith.remsi %scan3A_318, %jit3A_335 : i32
      %ne3A_353 = arith.constant 0 : i32
      %ne3A_354 = arith.cmpi ne, %rem3A_352, %ne3A_353 : i32
      %and3A_355 = arith.andi %ne3A_351, %ne3A_354 : i1
      %sub3A_356 = arith.constant 1 : i32
      %sub3A_357 = arith.subi %div3A_336, %sub3A_356 : i32
      %select_n3A_358 = arith.select %and3A_355, %sub3A_357, %div3A_336 : i32
      %jit3A_359 = arith.constant 64 : i32
      %eq3A_360 = arith.constant 0 : i32
      %eq3A_361 = arith.cmpi eq, %jit3A_359, %eq3A_360 : i32
      %jit3A_362 = arith.constant 1 : i32
      %select_n3A_363 = arith.select %eq3A_361, %jit3A_362, %jit3A_359 : i32
      %rem3A_364 = arith.remsi %scan3A_318, %select_n3A_363 : i32
      %ne3A_365 = arith.constant 0 : i32
      %ne3A_366 = arith.cmpi ne, %rem3A_364, %ne3A_365 : i32
      %lt3A_367 = arith.constant 0 : i32
      %lt3A_368 = arith.cmpi slt, %rem3A_364, %lt3A_367 : i32
      %lt3A_369 = arith.constant 0 : i32
      %lt3A_370 = arith.cmpi slt, %select_n3A_363, %lt3A_369 : i32
      %ne3A_371 = arith.xori %lt3A_368, %lt3A_370 : i1
      %and3A_372 = arith.andi %ne3A_371, %ne3A_366 : i1
      %add3A_373 = arith.addi %rem3A_364, %select_n3A_363 : i32
      %select_n3A_374 = arith.select %and3A_372, %add3A_373, %rem3A_364 : i32
      %get3A = arith.index_cast %select_n3A_358 : i32 to index
      %get3A_375 = arith.index_cast %select_n3A_374 : i32 to index
      %get3A_376 = arith.constant 0 : index
      %get3A_377 = tpu.vector_load %arg4[%get3A, %get3A_375, %get3A_376] {strides = array<i32>} : memref<2x64x256xf32, #tpu.memory_space<vmem>>, vector<1x1x16xf32>,
      %get3A_378 = vector.shape_cast %get3A_377 : vector<1x1x16xf32> to vector<16xf32>
      %add3A_379 = arith.addf %scan3A_319, %get3A_378 : vector<16xf32>
      %get3A_380 = arith.index_cast %select_n3A_358 : i32 to index
      %get3A_381 = arith.index_cast %select_n3A_374 : i32 to index
      %get3A_382 = arith.constant 16 : index
      %get3A_383 = tpu.vector_load %arg4[%get3A_380, %get3A_381, %get3A_382] {strides = array<i32>} : memref<2x64x256xf32, #tpu.memory_space<vmem>>, vector<1x1x16xf32>,
      %get3A_384 = vector.shape_cast %get3A_383 : vector<1x1x16xf32> to vector<16xf32>
      %add3A_385 = arith.addf %scan3A_320, %get3A_384 : vector<16xf32>
      %get3A_386 = arith.index_cast %select_n3A_358 : i32 to index
      %get3A_387 = arith.index_cast %select_n3A_374 : i32 to index
      %get3A_388 = arith.constant 32 : index
      %get3A_389 = tpu.vector_load %arg4[%get3A_386, %get3A_387, %get3A_388] {strides = array<i32>} : memref<2x64x256xf32, #tpu.memory_space<vmem>>, vector<1x1x16xf32>,
      %get3A_390 = vector.shape_cast %get3A_389 : vector<1x1x16xf32> to vector<16xf32>
      %add3A_391 = arith.addf %scan3A_321, %get3A_390 : vector<16xf32>
      %get3A_392 = arith.index_cast %select_n3A_358 : i32 to index
      %get3A_393 = arith.index_cast %select_n3A_374 : i32 to index
      %get3A_394 = arith.constant 48 : index
      %get3A_395 = tpu.vector_load %arg4[%get3A_392, %get3A_393, %get3A_394] {strides = array<i32>} : memref<2x64x256xf32, #tpu.memory_space<vmem>>, vector<1x1x16xf32>,
      %get3A_396 = vector.shape_cast %get3A_395 : vector<1x1x16xf32> to vector<16xf32>
      %add3A_397 = arith.addf %scan3A_322, %get3A_396 : vector<16xf32>
      %get3A_398 = arith.index_cast %select_n3A_358 : i32 to index
      %get3A_399 = arith.index_cast %select_n3A_374 : i32 to index
      %get3A_400 = arith.constant 64 : index
      %get3A_401 = tpu.vector_load %arg4[%get3A_398, %get3A_399, %get3A_400] {strides = array<i32>} : memref<2x64x256xf32, #tpu.memory_space<vmem>>, vector<1x1x16xf32>,
      %get3A_402 = vector.shape_cast %get3A_401 : vector<1x1x16xf32> to vector<16xf32>
      %add3A_403 = arith.addf %scan3A_323, %get3A_402 : vector<16xf32>
      %get3A_404 = arith.index_cast %select_n3A_358 : i32 to index
      %get3A_405 = arith.index_cast %select_n3A_374 : i32 to index
      %get3A_406 = arith.constant 80 : index
      %get3A_407 = tpu.vector_load %arg4[%get3A_404, %get3A_405, %get3A_406] {strides = array<i32>} : memref<2x64x256xf32, #tpu.memory_space<vmem>>, vector<1x1x16xf32>,
      %get3A_408 = vector.shape_cast %get3A_407 : vector<1x1x16xf32> to vector<16xf32>
      %add3A_409 = arith.addf %scan3A_324, %get3A_408 : vector<16xf32>
      %get3A_410 = arith.index_cast %select_n3A_358 : i32 to index
      %get3A_411 = arith.index_cast %select_n3A_374 : i32 to index
      %get3A_412 = arith.constant 96 : index
      %get3A_413 = tpu.vector_load %arg4[%get3A_410, %get3A_411, %get3A_412] {strides = array<i32>} : memref<2x64x256xf32, #tpu.memory_space<vmem>>, vector<1x1x16xf32>,
      %get3A_414 = vector.shape_cast %get3A_413 : vector<1x1x16xf32> to vector<16xf32>
      %add3A_415 = arith.addf %scan3A_325, %get3A_414 : vector<16xf32>
      %get3A_416 = arith.index_cast %select_n3A_358 : i32 to index
      %get3A_417 = arith.index_cast %select_n3A_374 : i32 to index
      %get3A_418 = arith.constant 112 : index
      %get3A_419 = tpu.vector_load %arg4[%get3A_416, %get3A_417, %get3A_418] {strides = array<i32>} : memref<2x64x256xf32, #tpu.memory_space<vmem>>, vector<1x1x16xf32>,
      %get3A_420 = vector.shape_cast %get3A_419 : vector<1x1x16xf32> to vector<16xf32>
      %add3A_421 = arith.addf %scan3A_326, %get3A_420 : vector<16xf32>
      %get3A_422 = arith.index_cast %select_n3A_358 : i32 to index
      %get3A_423 = arith.index_cast %select_n3A_374 : i32 to index
      %get3A_424 = arith.constant 128 : index
      %get3A_425 = tpu.vector_load %arg4[%get3A_422, %get3A_423, %get3A_424] {strides = array<i32>} : memref<2x64x256xf32, #tpu.memory_space<vmem>>, vector<1x1x16xf32>,
      %get3A_426 = vector.shape_cast %get3A_425 : vector<1x1x16xf32> to vector<16xf32>
      %add3A_427 = arith.addf %scan3A_327, %get3A_426 : vector<16xf32>
      %get3A_428 = arith.index_cast %select_n3A_358 : i32 to index
      %get3A_429 = arith.index_cast %select_n3A_374 : i32 to index
      %get3A_430 = arith.constant 144 : index
      %get3A_431 = tpu.vector_load %arg4[%get3A_428, %get3A_429, %get3A_430] {strides = array<i32>} : memref<2x64x256xf32, #tpu.memory_space<vmem>>, vector<1x1x16xf32>,
      %get3A_432 = vector.shape_cast %get3A_431 : vector<1x1x16xf32> to vector<16xf32>
      %add3A_433 = arith.addf %scan3A_328, %get3A_432 : vector<16xf32>
      %get3A_434 = arith.index_cast %select_n3A_358 : i32 to index
      %get3A_435 = arith.index_cast %select_n3A_374 : i32 to index
      %get3A_436 = arith.constant 160 : index
      %get3A_437 = tpu.vector_load %arg4[%get3A_434, %get3A_435, %get3A_436] {strides = array<i32>} : memref<2x64x256xf32, #tpu.memory_space<vmem>>, vector<1x1x16xf32>,
      %get3A_438 = vector.shape_cast %get3A_437 : vector<1x1x16xf32> to vector<16xf32>
      %add3A_439 = arith.addf %scan3A_329, %get3A_438 : vector<16xf32>
      %get3A_440 = arith.index_cast %select_n3A_358 : i32 to index
      %get3A_441 = arith.index_cast %select_n3A_374 : i32 to index
      %get3A_442 = arith.constant 176 : index
      %get3A_443 = tpu.vector_load %arg4[%get3A_440, %get3A_441, %get3A_442] {strides = array<i32>} : memref<2x64x256xf32, #tpu.memory_space<vmem>>, vector<1x1x16xf32>,
      %get3A_444 = vector.shape_cast %get3A_443 : vector<1x1x16xf32> to vector<16xf32>
      %add3A_445 = arith.addf %scan3A_330, %get3A_444 : vector<16xf32>
      %get3A_446 = arith.index_cast %select_n3A_358 : i32 to index
      %get3A_447 = arith.index_cast %select_n3A_374 : i32 to index
      %get3A_448 = arith.constant 192 : index
      %get3A_449 = tpu.vector_load %arg4[%get3A_446, %get3A_447, %get3A_448] {strides = array<i32>} : memref<2x64x256xf32, #tpu.memory_space<vmem>>, vector<1x1x16xf32>,
      %get3A_450 = vector.shape_cast %get3A_449 : vector<1x1x16xf32> to vector<16xf32>
      %add3A_451 = arith.addf %scan3A_331, %get3A_450 : vector<16xf32>
      %get3A_452 = arith.index_cast %select_n3A_358 : i32 to index
      %get3A_453 = arith.index_cast %select_n3A_374 : i32 to index
      %get3A_454 = arith.constant 208 : index
      %get3A_455 = tpu.vector_load %arg4[%get3A_452, %get3A_453, %get3A_454] {strides = array<i32>} : memref<2x64x256xf32, #tpu.memory_space<vmem>>, vector<1x1x16xf32>,
      %get3A_456 = vector.shape_cast %get3A_455 : vector<1x1x16xf32> to vector<16xf32>
      %add3A_457 = arith.addf %scan3A_332, %get3A_456 : vector<16xf32>
      %get3A_458 = arith.index_cast %select_n3A_358 : i32 to index
      %get3A_459 = arith.index_cast %select_n3A_374 : i32 to index
      %get3A_460 = arith.constant 224 : index
      %get3A_461 = tpu.vector_load %arg4[%get3A_458, %get3A_459, %get3A_460] {strides = array<i32>} : memref<2x64x256xf32, #tpu.memory_space<vmem>>, vector<1x1x16xf32>,
      %get3A_462 = vector.shape_cast %get3A_461 : vector<1x1x16xf32> to vector<16xf32>
      %add3A_463 = arith.addf %scan3A_333, %get3A_462 : vector<16xf32>
      %get3A_464 = arith.index_cast %select_n3A_358 : i32 to index
      %get3A_465 = arith.index_cast %select_n3A_374 : i32 to index
      %get3A_466 = arith.constant 240 : index
      %get3A_467 = tpu.vector_load %arg4[%get3A_464, %get3A_465, %get3A_466] {strides = array<i32>} : memref<2x64x256xf32, #tpu.memory_space<vmem>>, vector<1x1x16xf32>,
      %get3A_468 = vector.shape_cast %get3A_467 : vector<1x1x16xf32> to vector<16xf32>
      %add3A_469 = arith.addf %scan3A_334, %get3A_468 : vector<16xf32>
      scf.yield %add3A_379, %add3A_385, %add3A_391, %add3A_397, %add3A_403, %add3A_409, %add3A_415, %add3A_421, %add3A_427, %add3A_433, %add3A_439, %add3A_445, %add3A_451, %add3A_457, %add3A_463, %add3A_469 : vector<16xf32>, vector<16xf32>, vector<16xf32>, vector<16xf32>, vector<16xf32>, vector<16xf32>, vector<16xf32>, vector<16xf32>, vector<16xf32>, vector<16xf32>, vector<16xf32>, vector<16xf32>, vector<16xf32>, vector<16xf32>, vector<16xf32>, vector<16xf32>
    }
    %scan3A_96 = arith.constant 128 : i32
    %dma_wait3A_97 = arith.constant 0 : i32
    %dma_wait3A_98 = arith.constant 0 : i32
    %dma_wait3A_99 = tpu.memref_slice %arg2[%add3A_32, %mul3A_34, %dma_wait3A_97, %dma_wait3A_98] : memref<32x64x64x256xf32, #tpu.memory_space<hbm>> -> memref<1x2x64x256xf32, #tpu.memory_space<hbm>>
    %dma_wait3A_100 = tpu.memref_squeeze %dma_wait3A_99 : memref<1x2x64x256xf32, #tpu.memory_space<hbm>> -> memref<2x64x256xf32, #tpu.memory_space<hbm>>
    %dma_wait3A_101 = arith.constant 0 : i32
    %dma_wait3A_102 = arith.constant 0 : i32
    %dma_wait3A_103 = tpu.memref_slice %arg2[%add3A_32, %mul3A_34, %dma_wait3A_101, %dma_wait3A_102] : memref<32x64x64x256xf32, #tpu.memory_space<hbm>> -> memref<1x2x64x256xf32, #tpu.memory_space<hbm>>
    %dma_wait3A_104 = tpu.memref_squeeze %dma_wait3A_103 : memref<1x2x64x256xf32, #tpu.memory_space<hbm>> -> memref<2x64x256xf32, #tpu.memory_space<hbm>>
    tpu.wait_dma2 semaphore(%arg8 : memref<!tpu.dma_semaphore, #tpu.memory_space<semaphore_mem>>) src(%dma_wait3A_104 : memref<2x64x256xf32, #tpu.memory_space<hbm>>) dst(%arg5 : memref<2x64x256xf32, #tpu.memory_space<vmem>>)
    %add3A_105 = arith.constant 4 : i32
    %add3A_106 = arith.addi %mul3A_34, %add3A_105 : i32
    %dma_start3A_107 = arith.constant 0 : i32
    %dma_start3A_108 = arith.constant 0 : i32
    %dma_start3A_109 = tpu.memref_slice %arg2[%add3A_32, %add3A_106, %dma_start3A_107, %dma_start3A_108] : memref<32x64x64x256xf32, #tpu.memory_space<hbm>> -> memref<1x2x64x256xf32, #tpu.memory_space<hbm>>
    %dma_start3A_110 = tpu.memref_squeeze %dma_start3A_109 : memref<1x2x64x256xf32, #tpu.memory_space<hbm>> -> memref<2x64x256xf32, #tpu.memory_space<hbm>>
    %dma_start3A_111 = arith.constant 0 : i32
    %dma_start3A_112 = arith.constant 0 : i32
    %dma_start3A_113 = tpu.memref_slice %arg2[%add3A_32, %add3A_106, %dma_start3A_111, %dma_start3A_112] : memref<32x64x64x256xf32, #tpu.memory_space<hbm>> -> memref<1x2x64x256xf32, #tpu.memory_space<hbm>>
    %dma_start3A_114 = tpu.memref_squeeze %dma_start3A_113 : memref<1x2x64x256xf32, #tpu.memory_space<hbm>> -> memref<2x64x256xf32, #tpu.memory_space<hbm>>
    tpu.enqueue_dma source(%dma_start3A_114 : memref<2x64x256xf32, #tpu.memory_space<hbm>>) target(%arg4 : memref<2x64x256xf32, #tpu.memory_space<vmem>>) target_semaphore(%arg7 : memref<!tpu.dma_semaphore, #tpu.memory_space<semaphore_mem>>)
    %scan3A_115 = arith.constant 0 : i32
    %scan3A_116 = arith.constant 128 : i32
    %scan3A_117 = arith.addi %scan3A_115, %scan3A_116 : i32
    %scan3A_118 = arith.constant 1 : i32
    %scan3A_119:16 = scf.for %scan3A_318 = %scan3A_115 to %scan3A_117 step %scan3A_118 iter_args(%scan3A_319 = %scan3A_95#0, %scan3A_320 = %scan3A_95#1, %scan3A_321 = %scan3A_95#2, %scan3A_322 = %scan3A_95#3, %scan3A_323 = %scan3A_95#4, %scan3A_324 = %scan3A_95#5, %scan3A_325 = %scan3A_95#6, %scan3A_326 = %scan3A_95#7, %scan3A_327 = %scan3A_95#8, %scan3A_328 = %scan3A_95#9, %scan3A_329 = %scan3A_95#10, %scan3A_330 = %scan3A_95#11, %scan3A_331 = %scan3A_95#12, %scan3A_332 = %scan3A_95#13, %scan3A_333 = %scan3A_95#14, %scan3A_334 = %scan3A_95#15) -> (vector<16xf32>, vector<16xf32>, vector<16xf32>, vector<16xf32>, vector<16xf32>, vector<16xf32>, vector<16xf32>, vector<16xf32>, vector<16xf32>, vector<16xf32>, vector<16xf32>, vector<16xf32>, vector<16xf32>, vector<16xf32>, vector<16xf32>, vector<16xf32>)  : i32 {
      %jit3A_335 = arith.constant 64 : i32
      %div3A_336 = arith.divsi %scan3A_318, %jit3A_335 : i32
      %sign3A_337 = arith.constant 0 : i32
      %sign3A_338 = arith.cmpi sgt, %scan3A_318, %sign3A_337 : i32
      %sign3A_339 = arith.extui %sign3A_338 : i1 to i32
      %sign3A_340 = arith.constant 0 : i32
      %sign3A_341 = arith.cmpi slt, %scan3A_318, %sign3A_340 : i32
      %sign3A_342 = arith.extui %sign3A_341 : i1 to i32
      %sign3A_343 = arith.subi %sign3A_339, %sign3A_342 : i32
      %sign3A_344 = arith.constant 0 : i32
      %sign3A_345 = arith.cmpi sgt, %jit3A_335, %sign3A_344 : i32
      %sign3A_346 = arith.extui %sign3A_345 : i1 to i32
      %sign3A_347 = arith.constant 0 : i32
      %sign3A_348 = arith.cmpi slt, %jit3A_335, %sign3A_347 : i32
      %sign3A_349 = arith.extui %sign3A_348 : i1 to i32
      %sign3A_350 = arith.subi %sign3A_346, %sign3A_349 : i32
      %ne3A_351 = arith.cmpi ne, %sign3A_343, %sign3A_350 : i32
      %rem3A_352 = arith.remsi %scan3A_318, %jit3A_335 : i32
      %ne3A_353 = arith.constant 0 : i32
      %ne3A_354 = arith.cmpi ne, %rem3A_352, %ne3A_353 : i32
      %and3A_355 = arith.andi %ne3A_351, %ne3A_354 : i1
      %sub3A_356 = arith.constant 1 : i32
      %sub3A_357 = arith.subi %div3A_336, %sub3A_356 : i32
      %select_n3A_358 = arith.select %and3A_355, %sub3A_357, %div3A_336 : i32
      %jit3A_359 = arith.constant 64 : i32
      %eq3A_360 = arith.constant 0 : i32
      %eq3A_361 = arith.cmpi eq, %jit3A_359, %eq3A_360 : i32
      %jit3A_362 = arith.constant 1 : i32
      %select_n3A_363 = arith.select %eq3A_361, %jit3A_362, %jit3A_359 : i32
      %rem3A_364 = arith.remsi %scan3A_318, %select_n3A_363 : i32
      %ne3A_365 = arith.constant 0 : i32
      %ne3A_366 = arith.cmpi ne, %rem3A_364, %ne3A_365 : i32
      %lt3A_367 = arith.constant 0 : i32
      %lt3A_368 = arith.cmpi slt, %rem3A_364, %lt3A_367 : i32
      %lt3A_369 = arith.constant 0 : i32
      %lt3A_370 = arith.cmpi slt, %select_n3A_363, %lt3A_369 : i32
      %ne3A_371 = arith.xori %lt3A_368, %lt3A_370 : i1
      %and3A_372 = arith.andi %ne3A_371, %ne3A_366 : i1
      %add3A_373 = arith.addi %rem3A_364, %select_n3A_363 : i32
      %select_n3A_374 = arith.select %and3A_372, %add3A_373, %rem3A_364 : i32
      %get3A = arith.index_cast %select_n3A_358 : i32 to index
      %get3A_375 = arith.index_cast %select_n3A_374 : i32 to index
      %get3A_376 = arith.constant 0 : index
      %get3A_377 = tpu.vector_load %arg5[%get3A, %get3A_375, %get3A_376] {strides = array<i32>} : memref<2x64x256xf32, #tpu.memory_space<vmem>>, vector<1x1x16xf32>,
      %get3A_378 = vector.shape_cast %get3A_377 : vector<1x1x16xf32> to vector<16xf32>
      %add3A_379 = arith.addf %scan3A_319, %get3A_378 : vector<16xf32>
      %get3A_380 = arith.index_cast %select_n3A_358 : i32 to index
      %get3A_381 = arith.index_cast %select_n3A_374 : i32 to index
      %get3A_382 = arith.constant 16 : index
      %get3A_383 = tpu.vector_load %arg5[%get3A_380, %get3A_381, %get3A_382] {strides = array<i32>} : memref<2x64x256xf32, #tpu.memory_space<vmem>>, vector<1x1x16xf32>,
      %get3A_384 = vector.shape_cast %get3A_383 : vector<1x1x16xf32> to vector<16xf32>
      %add3A_385 = arith.addf %scan3A_320, %get3A_384 : vector<16xf32>
      %get3A_386 = arith.index_cast %select_n3A_358 : i32 to index
      %get3A_387 = arith.index_cast %select_n3A_374 : i32 to index
      %get3A_388 = arith.constant 32 : index
      %get3A_389 = tpu.vector_load %arg5[%get3A_386, %get3A_387, %get3A_388] {strides = array<i32>} : memref<2x64x256xf32, #tpu.memory_space<vmem>>, vector<1x1x16xf32>,
      %get3A_390 = vector.shape_cast %get3A_389 : vector<1x1x16xf32> to vector<16xf32>
      %add3A_391 = arith.addf %scan3A_321, %get3A_390 : vector<16xf32>
      %get3A_392 = arith.index_cast %select_n3A_358 : i32 to index
      %get3A_393 = arith.index_cast %select_n3A_374 : i32 to index
      %get3A_394 = arith.constant 48 : index
      %get3A_395 = tpu.vector_load %arg5[%get3A_392, %get3A_393, %get3A_394] {strides = array<i32>} : memref<2x64x256xf32, #tpu.memory_space<vmem>>, vector<1x1x16xf32>,
      %get3A_396 = vector.shape_cast %get3A_395 : vector<1x1x16xf32> to vector<16xf32>
      %add3A_397 = arith.addf %scan3A_322, %get3A_396 : vector<16xf32>
      %get3A_398 = arith.index_cast %select_n3A_358 : i32 to index
      %get3A_399 = arith.index_cast %select_n3A_374 : i32 to index
      %get3A_400 = arith.constant 64 : index
      %get3A_401 = tpu.vector_load %arg5[%get3A_398, %get3A_399, %get3A_400] {strides = array<i32>} : memref<2x64x256xf32, #tpu.memory_space<vmem>>, vector<1x1x16xf32>,
      %get3A_402 = vector.shape_cast %get3A_401 : vector<1x1x16xf32> to vector<16xf32>
      %add3A_403 = arith.addf %scan3A_323, %get3A_402 : vector<16xf32>
      %get3A_404 = arith.index_cast %select_n3A_358 : i32 to index
      %get3A_405 = arith.index_cast %select_n3A_374 : i32 to index
      %get3A_406 = arith.constant 80 : index
      %get3A_407 = tpu.vector_load %arg5[%get3A_404, %get3A_405, %get3A_406] {strides = array<i32>} : memref<2x64x256xf32, #tpu.memory_space<vmem>>, vector<1x1x16xf32>,
      %get3A_408 = vector.shape_cast %get3A_407 : vector<1x1x16xf32> to vector<16xf32>
      %add3A_409 = arith.addf %scan3A_324, %get3A_408 : vector<16xf32>
      %get3A_410 = arith.index_cast %select_n3A_358 : i32 to index
      %get3A_411 = arith.index_cast %select_n3A_374 : i32 to index
      %get3A_412 = arith.constant 96 : index
      %get3A_413 = tpu.vector_load %arg5[%get3A_410, %get3A_411, %get3A_412] {strides = array<i32>} : memref<2x64x256xf32, #tpu.memory_space<vmem>>, vector<1x1x16xf32>,
      %get3A_414 = vector.shape_cast %get3A_413 : vector<1x1x16xf32> to vector<16xf32>
      %add3A_415 = arith.addf %scan3A_325, %get3A_414 : vector<16xf32>
      %get3A_416 = arith.index_cast %select_n3A_358 : i32 to index
      %get3A_417 = arith.index_cast %select_n3A_374 : i32 to index
      %get3A_418 = arith.constant 112 : index
      %get3A_419 = tpu.vector_load %arg5[%get3A_416, %get3A_417, %get3A_418] {strides = array<i32>} : memref<2x64x256xf32, #tpu.memory_space<vmem>>, vector<1x1x16xf32>,
      %get3A_420 = vector.shape_cast %get3A_419 : vector<1x1x16xf32> to vector<16xf32>
      %add3A_421 = arith.addf %scan3A_326, %get3A_420 : vector<16xf32>
      %get3A_422 = arith.index_cast %select_n3A_358 : i32 to index
      %get3A_423 = arith.index_cast %select_n3A_374 : i32 to index
      %get3A_424 = arith.constant 128 : index
      %get3A_425 = tpu.vector_load %arg5[%get3A_422, %get3A_423, %get3A_424] {strides = array<i32>} : memref<2x64x256xf32, #tpu.memory_space<vmem>>, vector<1x1x16xf32>,
      %get3A_426 = vector.shape_cast %get3A_425 : vector<1x1x16xf32> to vector<16xf32>
      %add3A_427 = arith.addf %scan3A_327, %get3A_426 : vector<16xf32>
      %get3A_428 = arith.index_cast %select_n3A_358 : i32 to index
      %get3A_429 = arith.index_cast %select_n3A_374 : i32 to index
      %get3A_430 = arith.constant 144 : index
      %get3A_431 = tpu.vector_load %arg5[%get3A_428, %get3A_429, %get3A_430] {strides = array<i32>} : memref<2x64x256xf32, #tpu.memory_space<vmem>>, vector<1x1x16xf32>,
      %get3A_432 = vector.shape_cast %get3A_431 : vector<1x1x16xf32> to vector<16xf32>
      %add3A_433 = arith.addf %scan3A_328, %get3A_432 : vector<16xf32>
      %get3A_434 = arith.index_cast %select_n3A_358 : i32 to index
      %get3A_435 = arith.index_cast %select_n3A_374 : i32 to index
      %get3A_436 = arith.constant 160 : index
      %get3A_437 = tpu.vector_load %arg5[%get3A_434, %get3A_435, %get3A_436] {strides = array<i32>} : memref<2x64x256xf32, #tpu.memory_space<vmem>>, vector<1x1x16xf32>,
      %get3A_438 = vector.shape_cast %get3A_437 : vector<1x1x16xf32> to vector<16xf32>
      %add3A_439 = arith.addf %scan3A_329, %get3A_438 : vector<16xf32>
      %get3A_440 = arith.index_cast %select_n3A_358 : i32 to index
      %get3A_441 = arith.index_cast %select_n3A_374 : i32 to index
      %get3A_442 = arith.constant 176 : index
      %get3A_443 = tpu.vector_load %arg5[%get3A_440, %get3A_441, %get3A_442] {strides = array<i32>} : memref<2x64x256xf32, #tpu.memory_space<vmem>>, vector<1x1x16xf32>,
      %get3A_444 = vector.shape_cast %get3A_443 : vector<1x1x16xf32> to vector<16xf32>
      %add3A_445 = arith.addf %scan3A_330, %get3A_444 : vector<16xf32>
      %get3A_446 = arith.index_cast %select_n3A_358 : i32 to index
      %get3A_447 = arith.index_cast %select_n3A_374 : i32 to index
      %get3A_448 = arith.constant 192 : index
      %get3A_449 = tpu.vector_load %arg5[%get3A_446, %get3A_447, %get3A_448] {strides = array<i32>} : memref<2x64x256xf32, #tpu.memory_space<vmem>>, vector<1x1x16xf32>,
      %get3A_450 = vector.shape_cast %get3A_449 : vector<1x1x16xf32> to vector<16xf32>
      %add3A_451 = arith.addf %scan3A_331, %get3A_450 : vector<16xf32>
      %get3A_452 = arith.index_cast %select_n3A_358 : i32 to index
      %get3A_453 = arith.index_cast %select_n3A_374 : i32 to index
      %get3A_454 = arith.constant 208 : index
      %get3A_455 = tpu.vector_load %arg5[%get3A_452, %get3A_453, %get3A_454] {strides = array<i32>} : memref<2x64x256xf32, #tpu.memory_space<vmem>>, vector<1x1x16xf32>,
      %get3A_456 = vector.shape_cast %get3A_455 : vector<1x1x16xf32> to vector<16xf32>
      %add3A_457 = arith.addf %scan3A_332, %get3A_456 : vector<16xf32>
      %get3A_458 = arith.index_cast %select_n3A_358 : i32 to index
      %get3A_459 = arith.index_cast %select_n3A_374 : i32 to index
      %get3A_460 = arith.constant 224 : index
      %get3A_461 = tpu.vector_load %arg5[%get3A_458, %get3A_459, %get3A_460] {strides = array<i32>} : memref<2x64x256xf32, #tpu.memory_space<vmem>>, vector<1x1x16xf32>,
      %get3A_462 = vector.shape_cast %get3A_461 : vector<1x1x16xf32> to vector<16xf32>
      %add3A_463 = arith.addf %scan3A_333, %get3A_462 : vector<16xf32>
      %get3A_464 = arith.index_cast %select_n3A_358 : i32 to index
      %get3A_465 = arith.index_cast %select_n3A_374 : i32 to index
      %get3A_466 = arith.constant 240 : index
      %get3A_467 = tpu.vector_load %arg5[%get3A_464, %get3A_465, %get3A_466] {strides = array<i32>} : memref<2x64x256xf32, #tpu.memory_space<vmem>>, vector<1x1x16xf32>,
      %get3A_468 = vector.shape_cast %get3A_467 : vector<1x1x16xf32> to vector<16xf32>
      %add3A_469 = arith.addf %scan3A_334, %get3A_468 : vector<16xf32>
      scf.yield %add3A_379, %add3A_385, %add3A_391, %add3A_397, %add3A_403, %add3A_409, %add3A_415, %add3A_421, %add3A_427, %add3A_433, %add3A_439, %add3A_445, %add3A_451, %add3A_457, %add3A_463, %add3A_469 : vector<16xf32>, vector<16xf32>, vector<16xf32>, vector<16xf32>, vector<16xf32>, vector<16xf32>, vector<16xf32>, vector<16xf32>, vector<16xf32>, vector<16xf32>, vector<16xf32>, vector<16xf32>, vector<16xf32>, vector<16xf32>, vector<16xf32>, vector<16xf32>
    }
    %scan3A_120 = arith.constant 128 : i32
    %dma_wait3A_121 = arith.constant 0 : i32
    %dma_wait3A_122 = arith.constant 0 : i32
    %dma_wait3A_123 = tpu.memref_slice %arg2[%add3A_32, %mul3A_34, %dma_wait3A_121, %dma_wait3A_122] : memref<32x64x64x256xf32, #tpu.memory_space<hbm>> -> memref<1x2x64x256xf32, #tpu.memory_space<hbm>>
    %dma_wait3A_124 = tpu.memref_squeeze %dma_wait3A_123 : memref<1x2x64x256xf32, #tpu.memory_space<hbm>> -> memref<2x64x256xf32, #tpu.memory_space<hbm>>
    %dma_wait3A_125 = arith.constant 0 : i32
    %dma_wait3A_126 = arith.constant 0 : i32
    %dma_wait3A_127 = tpu.memref_slice %arg2[%add3A_32, %mul3A_34, %dma_wait3A_125, %dma_wait3A_126] : memref<32x64x64x256xf32, #tpu.memory_space<hbm>> -> memref<1x2x64x256xf32, #tpu.memory_space<hbm>>
    %dma_wait3A_128 = tpu.memref_squeeze %dma_wait3A_127 : memref<1x2x64x256xf32, #tpu.memory_space<hbm>> -> memref<2x64x256xf32, #tpu.memory_space<hbm>>
    tpu.wait_dma2 semaphore(%arg7 : memref<!tpu.dma_semaphore, #tpu.memory_space<semaphore_mem>>) src(%dma_wait3A_128 : memref<2x64x256xf32, #tpu.memory_space<hbm>>) dst(%arg4 : memref<2x64x256xf32, #tpu.memory_space<vmem>>)
    %add3A_129 = arith.constant 6 : i32
    %add3A_130 = arith.addi %mul3A_34, %add3A_129 : i32
    %dma_start3A_131 = arith.constant 0 : i32
    %dma_start3A_132 = arith.constant 0 : i32
    %dma_start3A_133 = tpu.memref_slice %arg2[%add3A_32, %add3A_130, %dma_start3A_131, %dma_start3A_132] : memref<32x64x64x256xf32, #tpu.memory_space<hbm>> -> memref<1x2x64x256xf32, #tpu.memory_space<hbm>>
    %dma_start3A_134 = tpu.memref_squeeze %dma_start3A_133 : memref<1x2x64x256xf32, #tpu.memory_space<hbm>> -> memref<2x64x256xf32, #tpu.memory_space<hbm>>
    %dma_start3A_135 = arith.constant 0 : i32
    %dma_start3A_136 = arith.constant 0 : i32
    %dma_start3A_137 = tpu.memref_slice %arg2[%add3A_32, %add3A_130, %dma_start3A_135, %dma_start3A_136] : memref<32x64x64x256xf32, #tpu.memory_space<hbm>> -> memref<1x2x64x256xf32, #tpu.memory_space<hbm>>
    %dma_start3A_138 = tpu.memref_squeeze %dma_start3A_137 : memref<1x2x64x256xf32, #tpu.memory_space<hbm>> -> memref<2x64x256xf32, #tpu.memory_space<hbm>>
    tpu.enqueue_dma source(%dma_start3A_138 : memref<2x64x256xf32, #tpu.memory_space<hbm>>) target(%arg5 : memref<2x64x256xf32, #tpu.memory_space<vmem>>) target_semaphore(%arg8 : memref<!tpu.dma_semaphore, #tpu.memory_space<semaphore_mem>>)
    %scan3A_139 = arith.constant 0 : i32
    %scan3A_140 = arith.constant 128 : i32
    %scan3A_141 = arith.addi %scan3A_139, %scan3A_140 : i32
    %scan3A_142 = arith.constant 1 : i32
    %scan3A_143:16 = scf.for %scan3A_318 = %scan3A_139 to %scan3A_141 step %scan3A_142 iter_args(%scan3A_319 = %scan3A_119#0, %scan3A_320 = %scan3A_119#1, %scan3A_321 = %scan3A_119#2, %scan3A_322 = %scan3A_119#3, %scan3A_323 = %scan3A_119#4, %scan3A_324 = %scan3A_119#5, %scan3A_325 = %scan3A_119#6, %scan3A_326 = %scan3A_119#7, %scan3A_327 = %scan3A_119#8, %scan3A_328 = %scan3A_119#9, %scan3A_329 = %scan3A_119#10, %scan3A_330 = %scan3A_119#11, %scan3A_331 = %scan3A_119#12, %scan3A_332 = %scan3A_119#13, %scan3A_333 = %scan3A_119#14, %scan3A_334 = %scan3A_119#15) -> (vector<16xf32>, vector<16xf32>, vector<16xf32>, vector<16xf32>, vector<16xf32>, vector<16xf32>, vector<16xf32>, vector<16xf32>, vector<16xf32>, vector<16xf32>, vector<16xf32>, vector<16xf32>, vector<16xf32>, vector<16xf32>, vector<16xf32>, vector<16xf32>)  : i32 {
      %jit3A_335 = arith.constant 64 : i32
      %div3A_336 = arith.divsi %scan3A_318, %jit3A_335 : i32
      %sign3A_337 = arith.constant 0 : i32
      %sign3A_338 = arith.cmpi sgt, %scan3A_318, %sign3A_337 : i32
      %sign3A_339 = arith.extui %sign3A_338 : i1 to i32
      %sign3A_340 = arith.constant 0 : i32
      %sign3A_341 = arith.cmpi slt, %scan3A_318, %sign3A_340 : i32
      %sign3A_342 = arith.extui %sign3A_341 : i1 to i32
      %sign3A_343 = arith.subi %sign3A_339, %sign3A_342 : i32
      %sign3A_344 = arith.constant 0 : i32
      %sign3A_345 = arith.cmpi sgt, %jit3A_335, %sign3A_344 : i32
      %sign3A_346 = arith.extui %sign3A_345 : i1 to i32
      %sign3A_347 = arith.constant 0 : i32
      %sign3A_348 = arith.cmpi slt, %jit3A_335, %sign3A_347 : i32
      %sign3A_349 = arith.extui %sign3A_348 : i1 to i32
      %sign3A_350 = arith.subi %sign3A_346, %sign3A_349 : i32
      %ne3A_351 = arith.cmpi ne, %sign3A_343, %sign3A_350 : i32
      %rem3A_352 = arith.remsi %scan3A_318, %jit3A_335 : i32
      %ne3A_353 = arith.constant 0 : i32
      %ne3A_354 = arith.cmpi ne, %rem3A_352, %ne3A_353 : i32
      %and3A_355 = arith.andi %ne3A_351, %ne3A_354 : i1
      %sub3A_356 = arith.constant 1 : i32
      %sub3A_357 = arith.subi %div3A_336, %sub3A_356 : i32
      %select_n3A_358 = arith.select %and3A_355, %sub3A_357, %div3A_336 : i32
      %jit3A_359 = arith.constant 64 : i32
      %eq3A_360 = arith.constant 0 : i32
      %eq3A_361 = arith.cmpi eq, %jit3A_359, %eq3A_360 : i32
      %jit3A_362 = arith.constant 1 : i32
      %select_n3A_363 = arith.select %eq3A_361, %jit3A_362, %jit3A_359 : i32
      %rem3A_364 = arith.remsi %scan3A_318, %select_n3A_363 : i32
      %ne3A_365 = arith.constant 0 : i32
      %ne3A_366 = arith.cmpi ne, %rem3A_364, %ne3A_365 : i32
      %lt3A_367 = arith.constant 0 : i32
      %lt3A_368 = arith.cmpi slt, %rem3A_364, %lt3A_367 : i32
      %lt3A_369 = arith.constant 0 : i32
      %lt3A_370 = arith.cmpi slt, %select_n3A_363, %lt3A_369 : i32
      %ne3A_371 = arith.xori %lt3A_368, %lt3A_370 : i1
      %and3A_372 = arith.andi %ne3A_371, %ne3A_366 : i1
      %add3A_373 = arith.addi %rem3A_364, %select_n3A_363 : i32
      %select_n3A_374 = arith.select %and3A_372, %add3A_373, %rem3A_364 : i32
      %get3A = arith.index_cast %select_n3A_358 : i32 to index
      %get3A_375 = arith.index_cast %select_n3A_374 : i32 to index
      %get3A_376 = arith.constant 0 : index
      %get3A_377 = tpu.vector_load %arg4[%get3A, %get3A_375, %get3A_376] {strides = array<i32>} : memref<2x64x256xf32, #tpu.memory_space<vmem>>, vector<1x1x16xf32>,
      %get3A_378 = vector.shape_cast %get3A_377 : vector<1x1x16xf32> to vector<16xf32>
      %add3A_379 = arith.addf %scan3A_319, %get3A_378 : vector<16xf32>
      %get3A_380 = arith.index_cast %select_n3A_358 : i32 to index
      %get3A_381 = arith.index_cast %select_n3A_374 : i32 to index
      %get3A_382 = arith.constant 16 : index
      %get3A_383 = tpu.vector_load %arg4[%get3A_380, %get3A_381, %get3A_382] {strides = array<i32>} : memref<2x64x256xf32, #tpu.memory_space<vmem>>, vector<1x1x16xf32>,
      %get3A_384 = vector.shape_cast %get3A_383 : vector<1x1x16xf32> to vector<16xf32>
      %add3A_385 = arith.addf %scan3A_320, %get3A_384 : vector<16xf32>
      %get3A_386 = arith.index_cast %select_n3A_358 : i32 to index
      %get3A_387 = arith.index_cast %select_n3A_374 : i32 to index
      %get3A_388 = arith.constant 32 : index
      %get3A_389 = tpu.vector_load %arg4[%get3A_386, %get3A_387, %get3A_388] {strides = array<i32>} : memref<2x64x256xf32, #tpu.memory_space<vmem>>, vector<1x1x16xf32>,
      %get3A_390 = vector.shape_cast %get3A_389 : vector<1x1x16xf32> to vector<16xf32>
      %add3A_391 = arith.addf %scan3A_321, %get3A_390 : vector<16xf32>
      %get3A_392 = arith.index_cast %select_n3A_358 : i32 to index
      %get3A_393 = arith.index_cast %select_n3A_374 : i32 to index
      %get3A_394 = arith.constant 48 : index
      %get3A_395 = tpu.vector_load %arg4[%get3A_392, %get3A_393, %get3A_394] {strides = array<i32>} : memref<2x64x256xf32, #tpu.memory_space<vmem>>, vector<1x1x16xf32>,
      %get3A_396 = vector.shape_cast %get3A_395 : vector<1x1x16xf32> to vector<16xf32>
      %add3A_397 = arith.addf %scan3A_322, %get3A_396 : vector<16xf32>
      %get3A_398 = arith.index_cast %select_n3A_358 : i32 to index
      %get3A_399 = arith.index_cast %select_n3A_374 : i32 to index
      %get3A_400 = arith.constant 64 : index
      %get3A_401 = tpu.vector_load %arg4[%get3A_398, %get3A_399, %get3A_400] {strides = array<i32>} : memref<2x64x256xf32, #tpu.memory_space<vmem>>, vector<1x1x16xf32>,
      %get3A_402 = vector.shape_cast %get3A_401 : vector<1x1x16xf32> to vector<16xf32>
      %add3A_403 = arith.addf %scan3A_323, %get3A_402 : vector<16xf32>
      %get3A_404 = arith.index_cast %select_n3A_358 : i32 to index
      %get3A_405 = arith.index_cast %select_n3A_374 : i32 to index
      %get3A_406 = arith.constant 80 : index
      %get3A_407 = tpu.vector_load %arg4[%get3A_404, %get3A_405, %get3A_406] {strides = array<i32>} : memref<2x64x256xf32, #tpu.memory_space<vmem>>, vector<1x1x16xf32>,
      %get3A_408 = vector.shape_cast %get3A_407 : vector<1x1x16xf32> to vector<16xf32>
      %add3A_409 = arith.addf %scan3A_324, %get3A_408 : vector<16xf32>
      %get3A_410 = arith.index_cast %select_n3A_358 : i32 to index
      %get3A_411 = arith.index_cast %select_n3A_374 : i32 to index
      %get3A_412 = arith.constant 96 : index
      %get3A_413 = tpu.vector_load %arg4[%get3A_410, %get3A_411, %get3A_412] {strides = array<i32>} : memref<2x64x256xf32, #tpu.memory_space<vmem>>, vector<1x1x16xf32>,
      %get3A_414 = vector.shape_cast %get3A_413 : vector<1x1x16xf32> to vector<16xf32>
      %add3A_415 = arith.addf %scan3A_325, %get3A_414 : vector<16xf32>
      %get3A_416 = arith.index_cast %select_n3A_358 : i32 to index
      %get3A_417 = arith.index_cast %select_n3A_374 : i32 to index
      %get3A_418 = arith.constant 112 : index
      %get3A_419 = tpu.vector_load %arg4[%get3A_416, %get3A_417, %get3A_418] {strides = array<i32>} : memref<2x64x256xf32, #tpu.memory_space<vmem>>, vector<1x1x16xf32>,
      %get3A_420 = vector.shape_cast %get3A_419 : vector<1x1x16xf32> to vector<16xf32>
      %add3A_421 = arith.addf %scan3A_326, %get3A_420 : vector<16xf32>
      %get3A_422 = arith.index_cast %select_n3A_358 : i32 to index
      %get3A_423 = arith.index_cast %select_n3A_374 : i32 to index
      %get3A_424 = arith.constant 128 : index
      %get3A_425 = tpu.vector_load %arg4[%get3A_422, %get3A_423, %get3A_424] {strides = array<i32>} : memref<2x64x256xf32, #tpu.memory_space<vmem>>, vector<1x1x16xf32>,
      %get3A_426 = vector.shape_cast %get3A_425 : vector<1x1x16xf32> to vector<16xf32>
      %add3A_427 = arith.addf %scan3A_327, %get3A_426 : vector<16xf32>
      %get3A_428 = arith.index_cast %select_n3A_358 : i32 to index
      %get3A_429 = arith.index_cast %select_n3A_374 : i32 to index
      %get3A_430 = arith.constant 144 : index
      %get3A_431 = tpu.vector_load %arg4[%get3A_428, %get3A_429, %get3A_430] {strides = array<i32>} : memref<2x64x256xf32, #tpu.memory_space<vmem>>, vector<1x1x16xf32>,
      %get3A_432 = vector.shape_cast %get3A_431 : vector<1x1x16xf32> to vector<16xf32>
      %add3A_433 = arith.addf %scan3A_328, %get3A_432 : vector<16xf32>
      %get3A_434 = arith.index_cast %select_n3A_358 : i32 to index
      %get3A_435 = arith.index_cast %select_n3A_374 : i32 to index
      %get3A_436 = arith.constant 160 : index
      %get3A_437 = tpu.vector_load %arg4[%get3A_434, %get3A_435, %get3A_436] {strides = array<i32>} : memref<2x64x256xf32, #tpu.memory_space<vmem>>, vector<1x1x16xf32>,
      %get3A_438 = vector.shape_cast %get3A_437 : vector<1x1x16xf32> to vector<16xf32>
      %add3A_439 = arith.addf %scan3A_329, %get3A_438 : vector<16xf32>
      %get3A_440 = arith.index_cast %select_n3A_358 : i32 to index
      %get3A_441 = arith.index_cast %select_n3A_374 : i32 to index
      %get3A_442 = arith.constant 176 : index
      %get3A_443 = tpu.vector_load %arg4[%get3A_440, %get3A_441, %get3A_442] {strides = array<i32>} : memref<2x64x256xf32, #tpu.memory_space<vmem>>, vector<1x1x16xf32>,
      %get3A_444 = vector.shape_cast %get3A_443 : vector<1x1x16xf32> to vector<16xf32>
      %add3A_445 = arith.addf %scan3A_330, %get3A_444 : vector<16xf32>
      %get3A_446 = arith.index_cast %select_n3A_358 : i32 to index
      %get3A_447 = arith.index_cast %select_n3A_374 : i32 to index
      %get3A_448 = arith.constant 192 : index
      %get3A_449 = tpu.vector_load %arg4[%get3A_446, %get3A_447, %get3A_448] {strides = array<i32>} : memref<2x64x256xf32, #tpu.memory_space<vmem>>, vector<1x1x16xf32>,
      %get3A_450 = vector.shape_cast %get3A_449 : vector<1x1x16xf32> to vector<16xf32>
      %add3A_451 = arith.addf %scan3A_331, %get3A_450 : vector<16xf32>
      %get3A_452 = arith.index_cast %select_n3A_358 : i32 to index
      %get3A_453 = arith.index_cast %select_n3A_374 : i32 to index
      %get3A_454 = arith.constant 208 : index
      %get3A_455 = tpu.vector_load %arg4[%get3A_452, %get3A_453, %get3A_454] {strides = array<i32>} : memref<2x64x256xf32, #tpu.memory_space<vmem>>, vector<1x1x16xf32>,
      %get3A_456 = vector.shape_cast %get3A_455 : vector<1x1x16xf32> to vector<16xf32>
      %add3A_457 = arith.addf %scan3A_332, %get3A_456 : vector<16xf32>
      %get3A_458 = arith.index_cast %select_n3A_358 : i32 to index
      %get3A_459 = arith.index_cast %select_n3A_374 : i32 to index
      %get3A_460 = arith.constant 224 : index
      %get3A_461 = tpu.vector_load %arg4[%get3A_458, %get3A_459, %get3A_460] {strides = array<i32>} : memref<2x64x256xf32, #tpu.memory_space<vmem>>, vector<1x1x16xf32>,
      %get3A_462 = vector.shape_cast %get3A_461 : vector<1x1x16xf32> to vector<16xf32>
      %add3A_463 = arith.addf %scan3A_333, %get3A_462 : vector<16xf32>
      %get3A_464 = arith.index_cast %select_n3A_358 : i32 to index
      %get3A_465 = arith.index_cast %select_n3A_374 : i32 to index
      %get3A_466 = arith.constant 240 : index
      %get3A_467 = tpu.vector_load %arg4[%get3A_464, %get3A_465, %get3A_466] {strides = array<i32>} : memref<2x64x256xf32, #tpu.memory_space<vmem>>, vector<1x1x16xf32>,
      %get3A_468 = vector.shape_cast %get3A_467 : vector<1x1x16xf32> to vector<16xf32>
      %add3A_469 = arith.addf %scan3A_334, %get3A_468 : vector<16xf32>
      scf.yield %add3A_379, %add3A_385, %add3A_391, %add3A_397, %add3A_403, %add3A_409, %add3A_415, %add3A_421, %add3A_427, %add3A_433, %add3A_439, %add3A_445, %add3A_451, %add3A_457, %add3A_463, %add3A_469 : vector<16xf32>, vector<16xf32>, vector<16xf32>, vector<16xf32>, vector<16xf32>, vector<16xf32>, vector<16xf32>, vector<16xf32>, vector<16xf32>, vector<16xf32>, vector<16xf32>, vector<16xf32>, vector<16xf32>, vector<16xf32>, vector<16xf32>, vector<16xf32>
    }
    %scan3A_144 = arith.constant 128 : i32
    %dma_wait3A_145 = arith.constant 0 : i32
    %dma_wait3A_146 = arith.constant 0 : i32
    %dma_wait3A_147 = tpu.memref_slice %arg2[%add3A_32, %mul3A_34, %dma_wait3A_145, %dma_wait3A_146] : memref<32x64x64x256xf32, #tpu.memory_space<hbm>> -> memref<1x2x64x256xf32, #tpu.memory_space<hbm>>
    %dma_wait3A_148 = tpu.memref_squeeze %dma_wait3A_147 : memref<1x2x64x256xf32, #tpu.memory_space<hbm>> -> memref<2x64x256xf32, #tpu.memory_space<hbm>>
    %dma_wait3A_149 = arith.constant 0 : i32
    %dma_wait3A_150 = arith.constant 0 : i32
    %dma_wait3A_151 = tpu.memref_slice %arg2[%add3A_32, %mul3A_34, %dma_wait3A_149, %dma_wait3A_150] : memref<32x64x64x256xf32, #tpu.memory_space<hbm>> -> memref<1x2x64x256xf32, #tpu.memory_space<hbm>>
    %dma_wait3A_152 = tpu.memref_squeeze %dma_wait3A_151 : memref<1x2x64x256xf32, #tpu.memory_space<hbm>> -> memref<2x64x256xf32, #tpu.memory_space<hbm>>
    tpu.wait_dma2 semaphore(%arg8 : memref<!tpu.dma_semaphore, #tpu.memory_space<semaphore_mem>>) src(%dma_wait3A_152 : memref<2x64x256xf32, #tpu.memory_space<hbm>>) dst(%arg5 : memref<2x64x256xf32, #tpu.memory_space<vmem>>)
    %add3A_153 = arith.constant 8 : i32
    %add3A_154 = arith.addi %mul3A_34, %add3A_153 : i32
    %dma_start3A_155 = arith.constant 0 : i32
    %dma_start3A_156 = arith.constant 0 : i32
    %dma_start3A_157 = tpu.memref_slice %arg2[%add3A_32, %add3A_154, %dma_start3A_155, %dma_start3A_156] : memref<32x64x64x256xf32, #tpu.memory_space<hbm>> -> memref<1x2x64x256xf32, #tpu.memory_space<hbm>>
    %dma_start3A_158 = tpu.memref_squeeze %dma_start3A_157 : memref<1x2x64x256xf32, #tpu.memory_space<hbm>> -> memref<2x64x256xf32, #tpu.memory_space<hbm>>
    %dma_start3A_159 = arith.constant 0 : i32
    %dma_start3A_160 = arith.constant 0 : i32
    %dma_start3A_161 = tpu.memref_slice %arg2[%add3A_32, %add3A_154, %dma_start3A_159, %dma_start3A_160] : memref<32x64x64x256xf32, #tpu.memory_space<hbm>> -> memref<1x2x64x256xf32, #tpu.memory_space<hbm>>
    %dma_start3A_162 = tpu.memref_squeeze %dma_start3A_161 : memref<1x2x64x256xf32, #tpu.memory_space<hbm>> -> memref<2x64x256xf32, #tpu.memory_space<hbm>>
    tpu.enqueue_dma source(%dma_start3A_162 : memref<2x64x256xf32, #tpu.memory_space<hbm>>) target(%arg4 : memref<2x64x256xf32, #tpu.memory_space<vmem>>) target_semaphore(%arg7 : memref<!tpu.dma_semaphore, #tpu.memory_space<semaphore_mem>>)
    %scan3A_163 = arith.constant 0 : i32
    %scan3A_164 = arith.constant 128 : i32
    %scan3A_165 = arith.addi %scan3A_163, %scan3A_164 : i32
    %scan3A_166 = arith.constant 1 : i32
    %scan3A_167:16 = scf.for %scan3A_318 = %scan3A_163 to %scan3A_165 step %scan3A_166 iter_args(%scan3A_319 = %scan3A_143#0, %scan3A_320 = %scan3A_143#1, %scan3A_321 = %scan3A_143#2, %scan3A_322 = %scan3A_143#3, %scan3A_323 = %scan3A_143#4, %scan3A_324 = %scan3A_143#5, %scan3A_325 = %scan3A_143#6, %scan3A_326 = %scan3A_143#7, %scan3A_327 = %scan3A_143#8, %scan3A_328 = %scan3A_143#9, %scan3A_329 = %scan3A_143#10, %scan3A_330 = %scan3A_143#11, %scan3A_331 = %scan3A_143#12, %scan3A_332 = %scan3A_143#13, %scan3A_333 = %scan3A_143#14, %scan3A_334 = %scan3A_143#15) -> (vector<16xf32>, vector<16xf32>, vector<16xf32>, vector<16xf32>, vector<16xf32>, vector<16xf32>, vector<16xf32>, vector<16xf32>, vector<16xf32>, vector<16xf32>, vector<16xf32>, vector<16xf32>, vector<16xf32>, vector<16xf32>, vector<16xf32>, vector<16xf32>)  : i32 {
      %jit3A_335 = arith.constant 64 : i32
      %div3A_336 = arith.divsi %scan3A_318, %jit3A_335 : i32
      %sign3A_337 = arith.constant 0 : i32
      %sign3A_338 = arith.cmpi sgt, %scan3A_318, %sign3A_337 : i32
      %sign3A_339 = arith.extui %sign3A_338 : i1 to i32
      %sign3A_340 = arith.constant 0 : i32
      %sign3A_341 = arith.cmpi slt, %scan3A_318, %sign3A_340 : i32
      %sign3A_342 = arith.extui %sign3A_341 : i1 to i32
      %sign3A_343 = arith.subi %sign3A_339, %sign3A_342 : i32
      %sign3A_344 = arith.constant 0 : i32
      %sign3A_345 = arith.cmpi sgt, %jit3A_335, %sign3A_344 : i32
      %sign3A_346 = arith.extui %sign3A_345 : i1 to i32
      %sign3A_347 = arith.constant 0 : i32
      %sign3A_348 = arith.cmpi slt, %jit3A_335, %sign3A_347 : i32
      %sign3A_349 = arith.extui %sign3A_348 : i1 to i32
      %sign3A_350 = arith.subi %sign3A_346, %sign3A_349 : i32
      %ne3A_351 = arith.cmpi ne, %sign3A_343, %sign3A_350 : i32
      %rem3A_352 = arith.remsi %scan3A_318, %jit3A_335 : i32
      %ne3A_353 = arith.constant 0 : i32
      %ne3A_354 = arith.cmpi ne, %rem3A_352, %ne3A_353 : i32
      %and3A_355 = arith.andi %ne3A_351, %ne3A_354 : i1
      %sub3A_356 = arith.constant 1 : i32
      %sub3A_357 = arith.subi %div3A_336, %sub3A_356 : i32
      %select_n3A_358 = arith.select %and3A_355, %sub3A_357, %div3A_336 : i32
      %jit3A_359 = arith.constant 64 : i32
      %eq3A_360 = arith.constant 0 : i32
      %eq3A_361 = arith.cmpi eq, %jit3A_359, %eq3A_360 : i32
      %jit3A_362 = arith.constant 1 : i32
      %select_n3A_363 = arith.select %eq3A_361, %jit3A_362, %jit3A_359 : i32
      %rem3A_364 = arith.remsi %scan3A_318, %select_n3A_363 : i32
      %ne3A_365 = arith.constant 0 : i32
      %ne3A_366 = arith.cmpi ne, %rem3A_364, %ne3A_365 : i32
      %lt3A_367 = arith.constant 0 : i32
      %lt3A_368 = arith.cmpi slt, %rem3A_364, %lt3A_367 : i32
      %lt3A_369 = arith.constant 0 : i32
      %lt3A_370 = arith.cmpi slt, %select_n3A_363, %lt3A_369 : i32
      %ne3A_371 = arith.xori %lt3A_368, %lt3A_370 : i1
      %and3A_372 = arith.andi %ne3A_371, %ne3A_366 : i1
      %add3A_373 = arith.addi %rem3A_364, %select_n3A_363 : i32
      %select_n3A_374 = arith.select %and3A_372, %add3A_373, %rem3A_364 : i32
      %get3A = arith.index_cast %select_n3A_358 : i32 to index
      %get3A_375 = arith.index_cast %select_n3A_374 : i32 to index
      %get3A_376 = arith.constant 0 : index
      %get3A_377 = tpu.vector_load %arg5[%get3A, %get3A_375, %get3A_376] {strides = array<i32>} : memref<2x64x256xf32, #tpu.memory_space<vmem>>, vector<1x1x16xf32>,
      %get3A_378 = vector.shape_cast %get3A_377 : vector<1x1x16xf32> to vector<16xf32>
      %add3A_379 = arith.addf %scan3A_319, %get3A_378 : vector<16xf32>
      %get3A_380 = arith.index_cast %select_n3A_358 : i32 to index
      %get3A_381 = arith.index_cast %select_n3A_374 : i32 to index
      %get3A_382 = arith.constant 16 : index
      %get3A_383 = tpu.vector_load %arg5[%get3A_380, %get3A_381, %get3A_382] {strides = array<i32>} : memref<2x64x256xf32, #tpu.memory_space<vmem>>, vector<1x1x16xf32>,
      %get3A_384 = vector.shape_cast %get3A_383 : vector<1x1x16xf32> to vector<16xf32>
      %add3A_385 = arith.addf %scan3A_320, %get3A_384 : vector<16xf32>
      %get3A_386 = arith.index_cast %select_n3A_358 : i32 to index
      %get3A_387 = arith.index_cast %select_n3A_374 : i32 to index
      %get3A_388 = arith.constant 32 : index
      %get3A_389 = tpu.vector_load %arg5[%get3A_386, %get3A_387, %get3A_388] {strides = array<i32>} : memref<2x64x256xf32, #tpu.memory_space<vmem>>, vector<1x1x16xf32>,
      %get3A_390 = vector.shape_cast %get3A_389 : vector<1x1x16xf32> to vector<16xf32>
      %add3A_391 = arith.addf %scan3A_321, %get3A_390 : vector<16xf32>
      %get3A_392 = arith.index_cast %select_n3A_358 : i32 to index
      %get3A_393 = arith.index_cast %select_n3A_374 : i32 to index
      %get3A_394 = arith.constant 48 : index
      %get3A_395 = tpu.vector_load %arg5[%get3A_392, %get3A_393, %get3A_394] {strides = array<i32>} : memref<2x64x256xf32, #tpu.memory_space<vmem>>, vector<1x1x16xf32>,
      %get3A_396 = vector.shape_cast %get3A_395 : vector<1x1x16xf32> to vector<16xf32>
      %add3A_397 = arith.addf %scan3A_322, %get3A_396 : vector<16xf32>
      %get3A_398 = arith.index_cast %select_n3A_358 : i32 to index
      %get3A_399 = arith.index_cast %select_n3A_374 : i32 to index
      %get3A_400 = arith.constant 64 : index
      %get3A_401 = tpu.vector_load %arg5[%get3A_398, %get3A_399, %get3A_400] {strides = array<i32>} : memref<2x64x256xf32, #tpu.memory_space<vmem>>, vector<1x1x16xf32>,
      %get3A_402 = vector.shape_cast %get3A_401 : vector<1x1x16xf32> to vector<16xf32>
      %add3A_403 = arith.addf %scan3A_323, %get3A_402 : vector<16xf32>
      %get3A_404 = arith.index_cast %select_n3A_358 : i32 to index
      %get3A_405 = arith.index_cast %select_n3A_374 : i32 to index
      %get3A_406 = arith.constant 80 : index
      %get3A_407 = tpu.vector_load %arg5[%get3A_404, %get3A_405, %get3A_406] {strides = array<i32>} : memref<2x64x256xf32, #tpu.memory_space<vmem>>, vector<1x1x16xf32>,
      %get3A_408 = vector.shape_cast %get3A_407 : vector<1x1x16xf32> to vector<16xf32>
      %add3A_409 = arith.addf %scan3A_324, %get3A_408 : vector<16xf32>
      %get3A_410 = arith.index_cast %select_n3A_358 : i32 to index
      %get3A_411 = arith.index_cast %select_n3A_374 : i32 to index
      %get3A_412 = arith.constant 96 : index
      %get3A_413 = tpu.vector_load %arg5[%get3A_410, %get3A_411, %get3A_412] {strides = array<i32>} : memref<2x64x256xf32, #tpu.memory_space<vmem>>, vector<1x1x16xf32>,
      %get3A_414 = vector.shape_cast %get3A_413 : vector<1x1x16xf32> to vector<16xf32>
      %add3A_415 = arith.addf %scan3A_325, %get3A_414 : vector<16xf32>
      %get3A_416 = arith.index_cast %select_n3A_358 : i32 to index
      %get3A_417 = arith.index_cast %select_n3A_374 : i32 to index
      %get3A_418 = arith.constant 112 : index
      %get3A_419 = tpu.vector_load %arg5[%get3A_416, %get3A_417, %get3A_418] {strides = array<i32>} : memref<2x64x256xf32, #tpu.memory_space<vmem>>, vector<1x1x16xf32>,
      %get3A_420 = vector.shape_cast %get3A_419 : vector<1x1x16xf32> to vector<16xf32>
      %add3A_421 = arith.addf %scan3A_326, %get3A_420 : vector<16xf32>
      %get3A_422 = arith.index_cast %select_n3A_358 : i32 to index
      %get3A_423 = arith.index_cast %select_n3A_374 : i32 to index
      %get3A_424 = arith.constant 128 : index
      %get3A_425 = tpu.vector_load %arg5[%get3A_422, %get3A_423, %get3A_424] {strides = array<i32>} : memref<2x64x256xf32, #tpu.memory_space<vmem>>, vector<1x1x16xf32>,
      %get3A_426 = vector.shape_cast %get3A_425 : vector<1x1x16xf32> to vector<16xf32>
      %add3A_427 = arith.addf %scan3A_327, %get3A_426 : vector<16xf32>
      %get3A_428 = arith.index_cast %select_n3A_358 : i32 to index
      %get3A_429 = arith.index_cast %select_n3A_374 : i32 to index
      %get3A_430 = arith.constant 144 : index
      %get3A_431 = tpu.vector_load %arg5[%get3A_428, %get3A_429, %get3A_430] {strides = array<i32>} : memref<2x64x256xf32, #tpu.memory_space<vmem>>, vector<1x1x16xf32>,
      %get3A_432 = vector.shape_cast %get3A_431 : vector<1x1x16xf32> to vector<16xf32>
      %add3A_433 = arith.addf %scan3A_328, %get3A_432 : vector<16xf32>
      %get3A_434 = arith.index_cast %select_n3A_358 : i32 to index
      %get3A_435 = arith.index_cast %select_n3A_374 : i32 to index
      %get3A_436 = arith.constant 160 : index
      %get3A_437 = tpu.vector_load %arg5[%get3A_434, %get3A_435, %get3A_436] {strides = array<i32>} : memref<2x64x256xf32, #tpu.memory_space<vmem>>, vector<1x1x16xf32>,
      %get3A_438 = vector.shape_cast %get3A_437 : vector<1x1x16xf32> to vector<16xf32>
      %add3A_439 = arith.addf %scan3A_329, %get3A_438 : vector<16xf32>
      %get3A_440 = arith.index_cast %select_n3A_358 : i32 to index
      %get3A_441 = arith.index_cast %select_n3A_374 : i32 to index
      %get3A_442 = arith.constant 176 : index
      %get3A_443 = tpu.vector_load %arg5[%get3A_440, %get3A_441, %get3A_442] {strides = array<i32>} : memref<2x64x256xf32, #tpu.memory_space<vmem>>, vector<1x1x16xf32>,
      %get3A_444 = vector.shape_cast %get3A_443 : vector<1x1x16xf32> to vector<16xf32>
      %add3A_445 = arith.addf %scan3A_330, %get3A_444 : vector<16xf32>
      %get3A_446 = arith.index_cast %select_n3A_358 : i32 to index
      %get3A_447 = arith.index_cast %select_n3A_374 : i32 to index
      %get3A_448 = arith.constant 192 : index
      %get3A_449 = tpu.vector_load %arg5[%get3A_446, %get3A_447, %get3A_448] {strides = array<i32>} : memref<2x64x256xf32, #tpu.memory_space<vmem>>, vector<1x1x16xf32>,
      %get3A_450 = vector.shape_cast %get3A_449 : vector<1x1x16xf32> to vector<16xf32>
      %add3A_451 = arith.addf %scan3A_331, %get3A_450 : vector<16xf32>
      %get3A_452 = arith.index_cast %select_n3A_358 : i32 to index
      %get3A_453 = arith.index_cast %select_n3A_374 : i32 to index
      %get3A_454 = arith.constant 208 : index
      %get3A_455 = tpu.vector_load %arg5[%get3A_452, %get3A_453, %get3A_454] {strides = array<i32>} : memref<2x64x256xf32, #tpu.memory_space<vmem>>, vector<1x1x16xf32>,
      %get3A_456 = vector.shape_cast %get3A_455 : vector<1x1x16xf32> to vector<16xf32>
      %add3A_457 = arith.addf %scan3A_332, %get3A_456 : vector<16xf32>
      %get3A_458 = arith.index_cast %select_n3A_358 : i32 to index
      %get3A_459 = arith.index_cast %select_n3A_374 : i32 to index
      %get3A_460 = arith.constant 224 : index
      %get3A_461 = tpu.vector_load %arg5[%get3A_458, %get3A_459, %get3A_460] {strides = array<i32>} : memref<2x64x256xf32, #tpu.memory_space<vmem>>, vector<1x1x16xf32>,
      %get3A_462 = vector.shape_cast %get3A_461 : vector<1x1x16xf32> to vector<16xf32>
      %add3A_463 = arith.addf %scan3A_333, %get3A_462 : vector<16xf32>
      %get3A_464 = arith.index_cast %select_n3A_358 : i32 to index
      %get3A_465 = arith.index_cast %select_n3A_374 : i32 to index
      %get3A_466 = arith.constant 240 : index
      %get3A_467 = tpu.vector_load %arg5[%get3A_464, %get3A_465, %get3A_466] {strides = array<i32>} : memref<2x64x256xf32, #tpu.memory_space<vmem>>, vector<1x1x16xf32>,
      %get3A_468 = vector.shape_cast %get3A_467 : vector<1x1x16xf32> to vector<16xf32>
      %add3A_469 = arith.addf %scan3A_334, %get3A_468 : vector<16xf32>
      scf.yield %add3A_379, %add3A_385, %add3A_391, %add3A_397, %add3A_403, %add3A_409, %add3A_415, %add3A_421, %add3A_427, %add3A_433, %add3A_439, %add3A_445, %add3A_451, %add3A_457, %add3A_463, %add3A_469 : vector<16xf32>, vector<16xf32>, vector<16xf32>, vector<16xf32>, vector<16xf32>, vector<16xf32>, vector<16xf32>, vector<16xf32>, vector<16xf32>, vector<16xf32>, vector<16xf32>, vector<16xf32>, vector<16xf32>, vector<16xf32>, vector<16xf32>, vector<16xf32>
    }
    %scan3A_168 = arith.constant 128 : i32
    %dma_wait3A_169 = arith.constant 0 : i32
    %dma_wait3A_170 = arith.constant 0 : i32
    %dma_wait3A_171 = tpu.memref_slice %arg2[%add3A_32, %mul3A_34, %dma_wait3A_169, %dma_wait3A_170] : memref<32x64x64x256xf32, #tpu.memory_space<hbm>> -> memref<1x2x64x256xf32, #tpu.memory_space<hbm>>
    %dma_wait3A_172 = tpu.memref_squeeze %dma_wait3A_171 : memref<1x2x64x256xf32, #tpu.memory_space<hbm>> -> memref<2x64x256xf32, #tpu.memory_space<hbm>>
    %dma_wait3A_173 = arith.constant 0 : i32
    %dma_wait3A_174 = arith.constant 0 : i32
    %dma_wait3A_175 = tpu.memref_slice %arg2[%add3A_32, %mul3A_34, %dma_wait3A_173, %dma_wait3A_174] : memref<32x64x64x256xf32, #tpu.memory_space<hbm>> -> memref<1x2x64x256xf32, #tpu.memory_space<hbm>>
    %dma_wait3A_176 = tpu.memref_squeeze %dma_wait3A_175 : memref<1x2x64x256xf32, #tpu.memory_space<hbm>> -> memref<2x64x256xf32, #tpu.memory_space<hbm>>
    tpu.wait_dma2 semaphore(%arg7 : memref<!tpu.dma_semaphore, #tpu.memory_space<semaphore_mem>>) src(%dma_wait3A_176 : memref<2x64x256xf32, #tpu.memory_space<hbm>>) dst(%arg4 : memref<2x64x256xf32, #tpu.memory_space<vmem>>)
    %add3A_177 = arith.constant 10 : i32
    %add3A_178 = arith.addi %mul3A_34, %add3A_177 : i32
    %dma_start3A_179 = arith.constant 0 : i32
    %dma_start3A_180 = arith.constant 0 : i32
    %dma_start3A_181 = tpu.memref_slice %arg2[%add3A_32, %add3A_178, %dma_start3A_179, %dma_start3A_180] : memref<32x64x64x256xf32, #tpu.memory_space<hbm>> -> memref<1x2x64x256xf32, #tpu.memory_space<hbm>>
    %dma_start3A_182 = tpu.memref_squeeze %dma_start3A_181 : memref<1x2x64x256xf32, #tpu.memory_space<hbm>> -> memref<2x64x256xf32, #tpu.memory_space<hbm>>
    %dma_start3A_183 = arith.constant 0 : i32
    %dma_start3A_184 = arith.constant 0 : i32
    %dma_start3A_185 = tpu.memref_slice %arg2[%add3A_32, %add3A_178, %dma_start3A_183, %dma_start3A_184] : memref<32x64x64x256xf32, #tpu.memory_space<hbm>> -> memref<1x2x64x256xf32, #tpu.memory_space<hbm>>
    %dma_start3A_186 = tpu.memref_squeeze %dma_start3A_185 : memref<1x2x64x256xf32, #tpu.memory_space<hbm>> -> memref<2x64x256xf32, #tpu.memory_space<hbm>>
    tpu.enqueue_dma source(%dma_start3A_186 : memref<2x64x256xf32, #tpu.memory_space<hbm>>) target(%arg5 : memref<2x64x256xf32, #tpu.memory_space<vmem>>) target_semaphore(%arg8 : memref<!tpu.dma_semaphore, #tpu.memory_space<semaphore_mem>>)
    %scan3A_187 = arith.constant 0 : i32
    %scan3A_188 = arith.constant 128 : i32
    %scan3A_189 = arith.addi %scan3A_187, %scan3A_188 : i32
    %scan3A_190 = arith.constant 1 : i32
    %scan3A_191:16 = scf.for %scan3A_318 = %scan3A_187 to %scan3A_189 step %scan3A_190 iter_args(%scan3A_319 = %scan3A_167#0, %scan3A_320 = %scan3A_167#1, %scan3A_321 = %scan3A_167#2, %scan3A_322 = %scan3A_167#3, %scan3A_323 = %scan3A_167#4, %scan3A_324 = %scan3A_167#5, %scan3A_325 = %scan3A_167#6, %scan3A_326 = %scan3A_167#7, %scan3A_327 = %scan3A_167#8, %scan3A_328 = %scan3A_167#9, %scan3A_329 = %scan3A_167#10, %scan3A_330 = %scan3A_167#11, %scan3A_331 = %scan3A_167#12, %scan3A_332 = %scan3A_167#13, %scan3A_333 = %scan3A_167#14, %scan3A_334 = %scan3A_167#15) -> (vector<16xf32>, vector<16xf32>, vector<16xf32>, vector<16xf32>, vector<16xf32>, vector<16xf32>, vector<16xf32>, vector<16xf32>, vector<16xf32>, vector<16xf32>, vector<16xf32>, vector<16xf32>, vector<16xf32>, vector<16xf32>, vector<16xf32>, vector<16xf32>)  : i32 {
      %jit3A_335 = arith.constant 64 : i32
      %div3A_336 = arith.divsi %scan3A_318, %jit3A_335 : i32
      %sign3A_337 = arith.constant 0 : i32
      %sign3A_338 = arith.cmpi sgt, %scan3A_318, %sign3A_337 : i32
      %sign3A_339 = arith.extui %sign3A_338 : i1 to i32
      %sign3A_340 = arith.constant 0 : i32
      %sign3A_341 = arith.cmpi slt, %scan3A_318, %sign3A_340 : i32
      %sign3A_342 = arith.extui %sign3A_341 : i1 to i32
      %sign3A_343 = arith.subi %sign3A_339, %sign3A_342 : i32
      %sign3A_344 = arith.constant 0 : i32
      %sign3A_345 = arith.cmpi sgt, %jit3A_335, %sign3A_344 : i32
      %sign3A_346 = arith.extui %sign3A_345 : i1 to i32
      %sign3A_347 = arith.constant 0 : i32
      %sign3A_348 = arith.cmpi slt, %jit3A_335, %sign3A_347 : i32
      %sign3A_349 = arith.extui %sign3A_348 : i1 to i32
      %sign3A_350 = arith.subi %sign3A_346, %sign3A_349 : i32
      %ne3A_351 = arith.cmpi ne, %sign3A_343, %sign3A_350 : i32
      %rem3A_352 = arith.remsi %scan3A_318, %jit3A_335 : i32
      %ne3A_353 = arith.constant 0 : i32
      %ne3A_354 = arith.cmpi ne, %rem3A_352, %ne3A_353 : i32
      %and3A_355 = arith.andi %ne3A_351, %ne3A_354 : i1
      %sub3A_356 = arith.constant 1 : i32
      %sub3A_357 = arith.subi %div3A_336, %sub3A_356 : i32
      %select_n3A_358 = arith.select %and3A_355, %sub3A_357, %div3A_336 : i32
      %jit3A_359 = arith.constant 64 : i32
      %eq3A_360 = arith.constant 0 : i32
      %eq3A_361 = arith.cmpi eq, %jit3A_359, %eq3A_360 : i32
      %jit3A_362 = arith.constant 1 : i32
      %select_n3A_363 = arith.select %eq3A_361, %jit3A_362, %jit3A_359 : i32
      %rem3A_364 = arith.remsi %scan3A_318, %select_n3A_363 : i32
      %ne3A_365 = arith.constant 0 : i32
      %ne3A_366 = arith.cmpi ne, %rem3A_364, %ne3A_365 : i32
      %lt3A_367 = arith.constant 0 : i32
      %lt3A_368 = arith.cmpi slt, %rem3A_364, %lt3A_367 : i32
      %lt3A_369 = arith.constant 0 : i32
      %lt3A_370 = arith.cmpi slt, %select_n3A_363, %lt3A_369 : i32
      %ne3A_371 = arith.xori %lt3A_368, %lt3A_370 : i1
      %and3A_372 = arith.andi %ne3A_371, %ne3A_366 : i1
      %add3A_373 = arith.addi %rem3A_364, %select_n3A_363 : i32
      %select_n3A_374 = arith.select %and3A_372, %add3A_373, %rem3A_364 : i32
      %get3A = arith.index_cast %select_n3A_358 : i32 to index
      %get3A_375 = arith.index_cast %select_n3A_374 : i32 to index
      %get3A_376 = arith.constant 0 : index
      %get3A_377 = tpu.vector_load %arg4[%get3A, %get3A_375, %get3A_376] {strides = array<i32>} : memref<2x64x256xf32, #tpu.memory_space<vmem>>, vector<1x1x16xf32>,
      %get3A_378 = vector.shape_cast %get3A_377 : vector<1x1x16xf32> to vector<16xf32>
      %add3A_379 = arith.addf %scan3A_319, %get3A_378 : vector<16xf32>
      %get3A_380 = arith.index_cast %select_n3A_358 : i32 to index
      %get3A_381 = arith.index_cast %select_n3A_374 : i32 to index
      %get3A_382 = arith.constant 16 : index
      %get3A_383 = tpu.vector_load %arg4[%get3A_380, %get3A_381, %get3A_382] {strides = array<i32>} : memref<2x64x256xf32, #tpu.memory_space<vmem>>, vector<1x1x16xf32>,
      %get3A_384 = vector.shape_cast %get3A_383 : vector<1x1x16xf32> to vector<16xf32>
      %add3A_385 = arith.addf %scan3A_320, %get3A_384 : vector<16xf32>
      %get3A_386 = arith.index_cast %select_n3A_358 : i32 to index
      %get3A_387 = arith.index_cast %select_n3A_374 : i32 to index
      %get3A_388 = arith.constant 32 : index
      %get3A_389 = tpu.vector_load %arg4[%get3A_386, %get3A_387, %get3A_388] {strides = array<i32>} : memref<2x64x256xf32, #tpu.memory_space<vmem>>, vector<1x1x16xf32>,
      %get3A_390 = vector.shape_cast %get3A_389 : vector<1x1x16xf32> to vector<16xf32>
      %add3A_391 = arith.addf %scan3A_321, %get3A_390 : vector<16xf32>
      %get3A_392 = arith.index_cast %select_n3A_358 : i32 to index
      %get3A_393 = arith.index_cast %select_n3A_374 : i32 to index
      %get3A_394 = arith.constant 48 : index
      %get3A_395 = tpu.vector_load %arg4[%get3A_392, %get3A_393, %get3A_394] {strides = array<i32>} : memref<2x64x256xf32, #tpu.memory_space<vmem>>, vector<1x1x16xf32>,
      %get3A_396 = vector.shape_cast %get3A_395 : vector<1x1x16xf32> to vector<16xf32>
      %add3A_397 = arith.addf %scan3A_322, %get3A_396 : vector<16xf32>
      %get3A_398 = arith.index_cast %select_n3A_358 : i32 to index
      %get3A_399 = arith.index_cast %select_n3A_374 : i32 to index
      %get3A_400 = arith.constant 64 : index
      %get3A_401 = tpu.vector_load %arg4[%get3A_398, %get3A_399, %get3A_400] {strides = array<i32>} : memref<2x64x256xf32, #tpu.memory_space<vmem>>, vector<1x1x16xf32>,
      %get3A_402 = vector.shape_cast %get3A_401 : vector<1x1x16xf32> to vector<16xf32>
      %add3A_403 = arith.addf %scan3A_323, %get3A_402 : vector<16xf32>
      %get3A_404 = arith.index_cast %select_n3A_358 : i32 to index
      %get3A_405 = arith.index_cast %select_n3A_374 : i32 to index
      %get3A_406 = arith.constant 80 : index
      %get3A_407 = tpu.vector_load %arg4[%get3A_404, %get3A_405, %get3A_406] {strides = array<i32>} : memref<2x64x256xf32, #tpu.memory_space<vmem>>, vector<1x1x16xf32>,
      %get3A_408 = vector.shape_cast %get3A_407 : vector<1x1x16xf32> to vector<16xf32>
      %add3A_409 = arith.addf %scan3A_324, %get3A_408 : vector<16xf32>
      %get3A_410 = arith.index_cast %select_n3A_358 : i32 to index
      %get3A_411 = arith.index_cast %select_n3A_374 : i32 to index
      %get3A_412 = arith.constant 96 : index
      %get3A_413 = tpu.vector_load %arg4[%get3A_410, %get3A_411, %get3A_412] {strides = array<i32>} : memref<2x64x256xf32, #tpu.memory_space<vmem>>, vector<1x1x16xf32>,
      %get3A_414 = vector.shape_cast %get3A_413 : vector<1x1x16xf32> to vector<16xf32>
      %add3A_415 = arith.addf %scan3A_325, %get3A_414 : vector<16xf32>
      %get3A_416 = arith.index_cast %select_n3A_358 : i32 to index
      %get3A_417 = arith.index_cast %select_n3A_374 : i32 to index
      %get3A_418 = arith.constant 112 : index
      %get3A_419 = tpu.vector_load %arg4[%get3A_416, %get3A_417, %get3A_418] {strides = array<i32>} : memref<2x64x256xf32, #tpu.memory_space<vmem>>, vector<1x1x16xf32>,
      %get3A_420 = vector.shape_cast %get3A_419 : vector<1x1x16xf32> to vector<16xf32>
      %add3A_421 = arith.addf %scan3A_326, %get3A_420 : vector<16xf32>
      %get3A_422 = arith.index_cast %select_n3A_358 : i32 to index
      %get3A_423 = arith.index_cast %select_n3A_374 : i32 to index
      %get3A_424 = arith.constant 128 : index
      %get3A_425 = tpu.vector_load %arg4[%get3A_422, %get3A_423, %get3A_424] {strides = array<i32>} : memref<2x64x256xf32, #tpu.memory_space<vmem>>, vector<1x1x16xf32>,
      %get3A_426 = vector.shape_cast %get3A_425 : vector<1x1x16xf32> to vector<16xf32>
      %add3A_427 = arith.addf %scan3A_327, %get3A_426 : vector<16xf32>
      %get3A_428 = arith.index_cast %select_n3A_358 : i32 to index
      %get3A_429 = arith.index_cast %select_n3A_374 : i32 to index
      %get3A_430 = arith.constant 144 : index
      %get3A_431 = tpu.vector_load %arg4[%get3A_428, %get3A_429, %get3A_430] {strides = array<i32>} : memref<2x64x256xf32, #tpu.memory_space<vmem>>, vector<1x1x16xf32>,
      %get3A_432 = vector.shape_cast %get3A_431 : vector<1x1x16xf32> to vector<16xf32>
      %add3A_433 = arith.addf %scan3A_328, %get3A_432 : vector<16xf32>
      %get3A_434 = arith.index_cast %select_n3A_358 : i32 to index
      %get3A_435 = arith.index_cast %select_n3A_374 : i32 to index
      %get3A_436 = arith.constant 160 : index
      %get3A_437 = tpu.vector_load %arg4[%get3A_434, %get3A_435, %get3A_436] {strides = array<i32>} : memref<2x64x256xf32, #tpu.memory_space<vmem>>, vector<1x1x16xf32>,
      %get3A_438 = vector.shape_cast %get3A_437 : vector<1x1x16xf32> to vector<16xf32>
      %add3A_439 = arith.addf %scan3A_329, %get3A_438 : vector<16xf32>
      %get3A_440 = arith.index_cast %select_n3A_358 : i32 to index
      %get3A_441 = arith.index_cast %select_n3A_374 : i32 to index
      %get3A_442 = arith.constant 176 : index
      %get3A_443 = tpu.vector_load %arg4[%get3A_440, %get3A_441, %get3A_442] {strides = array<i32>} : memref<2x64x256xf32, #tpu.memory_space<vmem>>, vector<1x1x16xf32>,
      %get3A_444 = vector.shape_cast %get3A_443 : vector<1x1x16xf32> to vector<16xf32>
      %add3A_445 = arith.addf %scan3A_330, %get3A_444 : vector<16xf32>
      %get3A_446 = arith.index_cast %select_n3A_358 : i32 to index
      %get3A_447 = arith.index_cast %select_n3A_374 : i32 to index
      %get3A_448 = arith.constant 192 : index
      %get3A_449 = tpu.vector_load %arg4[%get3A_446, %get3A_447, %get3A_448] {strides = array<i32>} : memref<2x64x256xf32, #tpu.memory_space<vmem>>, vector<1x1x16xf32>,
      %get3A_450 = vector.shape_cast %get3A_449 : vector<1x1x16xf32> to vector<16xf32>
      %add3A_451 = arith.addf %scan3A_331, %get3A_450 : vector<16xf32>
      %get3A_452 = arith.index_cast %select_n3A_358 : i32 to index
      %get3A_453 = arith.index_cast %select_n3A_374 : i32 to index
      %get3A_454 = arith.constant 208 : index
      %get3A_455 = tpu.vector_load %arg4[%get3A_452, %get3A_453, %get3A_454] {strides = array<i32>} : memref<2x64x256xf32, #tpu.memory_space<vmem>>, vector<1x1x16xf32>,
      %get3A_456 = vector.shape_cast %get3A_455 : vector<1x1x16xf32> to vector<16xf32>
      %add3A_457 = arith.addf %scan3A_332, %get3A_456 : vector<16xf32>
      %get3A_458 = arith.index_cast %select_n3A_358 : i32 to index
      %get3A_459 = arith.index_cast %select_n3A_374 : i32 to index
      %get3A_460 = arith.constant 224 : index
      %get3A_461 = tpu.vector_load %arg4[%get3A_458, %get3A_459, %get3A_460] {strides = array<i32>} : memref<2x64x256xf32, #tpu.memory_space<vmem>>, vector<1x1x16xf32>,
      %get3A_462 = vector.shape_cast %get3A_461 : vector<1x1x16xf32> to vector<16xf32>
      %add3A_463 = arith.addf %scan3A_333, %get3A_462 : vector<16xf32>
      %get3A_464 = arith.index_cast %select_n3A_358 : i32 to index
      %get3A_465 = arith.index_cast %select_n3A_374 : i32 to index
      %get3A_466 = arith.constant 240 : index
      %get3A_467 = tpu.vector_load %arg4[%get3A_464, %get3A_465, %get3A_466] {strides = array<i32>} : memref<2x64x256xf32, #tpu.memory_space<vmem>>, vector<1x1x16xf32>,
      %get3A_468 = vector.shape_cast %get3A_467 : vector<1x1x16xf32> to vector<16xf32>
      %add3A_469 = arith.addf %scan3A_334, %get3A_468 : vector<16xf32>
      scf.yield %add3A_379, %add3A_385, %add3A_391, %add3A_397, %add3A_403, %add3A_409, %add3A_415, %add3A_421, %add3A_427, %add3A_433, %add3A_439, %add3A_445, %add3A_451, %add3A_457, %add3A_463, %add3A_469 : vector<16xf32>, vector<16xf32>, vector<16xf32>, vector<16xf32>, vector<16xf32>, vector<16xf32>, vector<16xf32>, vector<16xf32>, vector<16xf32>, vector<16xf32>, vector<16xf32>, vector<16xf32>, vector<16xf32>, vector<16xf32>, vector<16xf32>, vector<16xf32>
    }
    %scan3A_192 = arith.constant 128 : i32
    %dma_wait3A_193 = arith.constant 0 : i32
    %dma_wait3A_194 = arith.constant 0 : i32
    %dma_wait3A_195 = tpu.memref_slice %arg2[%add3A_32, %mul3A_34, %dma_wait3A_193, %dma_wait3A_194] : memref<32x64x64x256xf32, #tpu.memory_space<hbm>> -> memref<1x2x64x256xf32, #tpu.memory_space<hbm>>
    %dma_wait3A_196 = tpu.memref_squeeze %dma_wait3A_195 : memref<1x2x64x256xf32, #tpu.memory_space<hbm>> -> memref<2x64x256xf32, #tpu.memory_space<hbm>>
    %dma_wait3A_197 = arith.constant 0 : i32
    %dma_wait3A_198 = arith.constant 0 : i32
    %dma_wait3A_199 = tpu.memref_slice %arg2[%add3A_32, %mul3A_34, %dma_wait3A_197, %dma_wait3A_198] : memref<32x64x64x256xf32, #tpu.memory_space<hbm>> -> memref<1x2x64x256xf32, #tpu.memory_space<hbm>>
    %dma_wait3A_200 = tpu.memref_squeeze %dma_wait3A_199 : memref<1x2x64x256xf32, #tpu.memory_space<hbm>> -> memref<2x64x256xf32, #tpu.memory_space<hbm>>
    tpu.wait_dma2 semaphore(%arg8 : memref<!tpu.dma_semaphore, #tpu.memory_space<semaphore_mem>>) src(%dma_wait3A_200 : memref<2x64x256xf32, #tpu.memory_space<hbm>>) dst(%arg5 : memref<2x64x256xf32, #tpu.memory_space<vmem>>)
    %add3A_201 = arith.constant 12 : i32
    %add3A_202 = arith.addi %mul3A_34, %add3A_201 : i32
    %dma_start3A_203 = arith.constant 0 : i32
    %dma_start3A_204 = arith.constant 0 : i32
    %dma_start3A_205 = tpu.memref_slice %arg2[%add3A_32, %add3A_202, %dma_start3A_203, %dma_start3A_204] : memref<32x64x64x256xf32, #tpu.memory_space<hbm>> -> memref<1x2x64x256xf32, #tpu.memory_space<hbm>>
    %dma_start3A_206 = tpu.memref_squeeze %dma_start3A_205 : memref<1x2x64x256xf32, #tpu.memory_space<hbm>> -> memref<2x64x256xf32, #tpu.memory_space<hbm>>
    %dma_start3A_207 = arith.constant 0 : i32
    %dma_start3A_208 = arith.constant 0 : i32
    %dma_start3A_209 = tpu.memref_slice %arg2[%add3A_32, %add3A_202, %dma_start3A_207, %dma_start3A_208] : memref<32x64x64x256xf32, #tpu.memory_space<hbm>> -> memref<1x2x64x256xf32, #tpu.memory_space<hbm>>
    %dma_start3A_210 = tpu.memref_squeeze %dma_start3A_209 : memref<1x2x64x256xf32, #tpu.memory_space<hbm>> -> memref<2x64x256xf32, #tpu.memory_space<hbm>>
    tpu.enqueue_dma source(%dma_start3A_210 : memref<2x64x256xf32, #tpu.memory_space<hbm>>) target(%arg4 : memref<2x64x256xf32, #tpu.memory_space<vmem>>) target_semaphore(%arg7 : memref<!tpu.dma_semaphore, #tpu.memory_space<semaphore_mem>>)
    %scan3A_211 = arith.constant 0 : i32
    %scan3A_212 = arith.constant 128 : i32
    %scan3A_213 = arith.addi %scan3A_211, %scan3A_212 : i32
    %scan3A_214 = arith.constant 1 : i32
    %scan3A_215:16 = scf.for %scan3A_318 = %scan3A_211 to %scan3A_213 step %scan3A_214 iter_args(%scan3A_319 = %scan3A_191#0, %scan3A_320 = %scan3A_191#1, %scan3A_321 = %scan3A_191#2, %scan3A_322 = %scan3A_191#3, %scan3A_323 = %scan3A_191#4, %scan3A_324 = %scan3A_191#5, %scan3A_325 = %scan3A_191#6, %scan3A_326 = %scan3A_191#7, %scan3A_327 = %scan3A_191#8, %scan3A_328 = %scan3A_191#9, %scan3A_329 = %scan3A_191#10, %scan3A_330 = %scan3A_191#11, %scan3A_331 = %scan3A_191#12, %scan3A_332 = %scan3A_191#13, %scan3A_333 = %scan3A_191#14, %scan3A_334 = %scan3A_191#15) -> (vector<16xf32>, vector<16xf32>, vector<16xf32>, vector<16xf32>, vector<16xf32>, vector<16xf32>, vector<16xf32>, vector<16xf32>, vector<16xf32>, vector<16xf32>, vector<16xf32>, vector<16xf32>, vector<16xf32>, vector<16xf32>, vector<16xf32>, vector<16xf32>)  : i32 {
      %jit3A_335 = arith.constant 64 : i32
      %div3A_336 = arith.divsi %scan3A_318, %jit3A_335 : i32
      %sign3A_337 = arith.constant 0 : i32
      %sign3A_338 = arith.cmpi sgt, %scan3A_318, %sign3A_337 : i32
      %sign3A_339 = arith.extui %sign3A_338 : i1 to i32
      %sign3A_340 = arith.constant 0 : i32
      %sign3A_341 = arith.cmpi slt, %scan3A_318, %sign3A_340 : i32
      %sign3A_342 = arith.extui %sign3A_341 : i1 to i32
      %sign3A_343 = arith.subi %sign3A_339, %sign3A_342 : i32
      %sign3A_344 = arith.constant 0 : i32
      %sign3A_345 = arith.cmpi sgt, %jit3A_335, %sign3A_344 : i32
      %sign3A_346 = arith.extui %sign3A_345 : i1 to i32
      %sign3A_347 = arith.constant 0 : i32
      %sign3A_348 = arith.cmpi slt, %jit3A_335, %sign3A_347 : i32
      %sign3A_349 = arith.extui %sign3A_348 : i1 to i32
      %sign3A_350 = arith.subi %sign3A_346, %sign3A_349 : i32
      %ne3A_351 = arith.cmpi ne, %sign3A_343, %sign3A_350 : i32
      %rem3A_352 = arith.remsi %scan3A_318, %jit3A_335 : i32
      %ne3A_353 = arith.constant 0 : i32
      %ne3A_354 = arith.cmpi ne, %rem3A_352, %ne3A_353 : i32
      %and3A_355 = arith.andi %ne3A_351, %ne3A_354 : i1
      %sub3A_356 = arith.constant 1 : i32
      %sub3A_357 = arith.subi %div3A_336, %sub3A_356 : i32
      %select_n3A_358 = arith.select %and3A_355, %sub3A_357, %div3A_336 : i32
      %jit3A_359 = arith.constant 64 : i32
      %eq3A_360 = arith.constant 0 : i32
      %eq3A_361 = arith.cmpi eq, %jit3A_359, %eq3A_360 : i32
      %jit3A_362 = arith.constant 1 : i32
      %select_n3A_363 = arith.select %eq3A_361, %jit3A_362, %jit3A_359 : i32
      %rem3A_364 = arith.remsi %scan3A_318, %select_n3A_363 : i32
      %ne3A_365 = arith.constant 0 : i32
      %ne3A_366 = arith.cmpi ne, %rem3A_364, %ne3A_365 : i32
      %lt3A_367 = arith.constant 0 : i32
      %lt3A_368 = arith.cmpi slt, %rem3A_364, %lt3A_367 : i32
      %lt3A_369 = arith.constant 0 : i32
      %lt3A_370 = arith.cmpi slt, %select_n3A_363, %lt3A_369 : i32
      %ne3A_371 = arith.xori %lt3A_368, %lt3A_370 : i1
      %and3A_372 = arith.andi %ne3A_371, %ne3A_366 : i1
      %add3A_373 = arith.addi %rem3A_364, %select_n3A_363 : i32
      %select_n3A_374 = arith.select %and3A_372, %add3A_373, %rem3A_364 : i32
      %get3A = arith.index_cast %select_n3A_358 : i32 to index
      %get3A_375 = arith.index_cast %select_n3A_374 : i32 to index
      %get3A_376 = arith.constant 0 : index
      %get3A_377 = tpu.vector_load %arg5[%get3A, %get3A_375, %get3A_376] {strides = array<i32>} : memref<2x64x256xf32, #tpu.memory_space<vmem>>, vector<1x1x16xf32>,
      %get3A_378 = vector.shape_cast %get3A_377 : vector<1x1x16xf32> to vector<16xf32>
      %add3A_379 = arith.addf %scan3A_319, %get3A_378 : vector<16xf32>
      %get3A_380 = arith.index_cast %select_n3A_358 : i32 to index
      %get3A_381 = arith.index_cast %select_n3A_374 : i32 to index
      %get3A_382 = arith.constant 16 : index
      %get3A_383 = tpu.vector_load %arg5[%get3A_380, %get3A_381, %get3A_382] {strides = array<i32>} : memref<2x64x256xf32, #tpu.memory_space<vmem>>, vector<1x1x16xf32>,
      %get3A_384 = vector.shape_cast %get3A_383 : vector<1x1x16xf32> to vector<16xf32>
      %add3A_385 = arith.addf %scan3A_320, %get3A_384 : vector<16xf32>
      %get3A_386 = arith.index_cast %select_n3A_358 : i32 to index
      %get3A_387 = arith.index_cast %select_n3A_374 : i32 to index
      %get3A_388 = arith.constant 32 : index
      %get3A_389 = tpu.vector_load %arg5[%get3A_386, %get3A_387, %get3A_388] {strides = array<i32>} : memref<2x64x256xf32, #tpu.memory_space<vmem>>, vector<1x1x16xf32>,
      %get3A_390 = vector.shape_cast %get3A_389 : vector<1x1x16xf32> to vector<16xf32>
      %add3A_391 = arith.addf %scan3A_321, %get3A_390 : vector<16xf32>
      %get3A_392 = arith.index_cast %select_n3A_358 : i32 to index
      %get3A_393 = arith.index_cast %select_n3A_374 : i32 to index
      %get3A_394 = arith.constant 48 : index
      %get3A_395 = tpu.vector_load %arg5[%get3A_392, %get3A_393, %get3A_394] {strides = array<i32>} : memref<2x64x256xf32, #tpu.memory_space<vmem>>, vector<1x1x16xf32>,
      %get3A_396 = vector.shape_cast %get3A_395 : vector<1x1x16xf32> to vector<16xf32>
      %add3A_397 = arith.addf %scan3A_322, %get3A_396 : vector<16xf32>
      %get3A_398 = arith.index_cast %select_n3A_358 : i32 to index
      %get3A_399 = arith.index_cast %select_n3A_374 : i32 to index
      %get3A_400 = arith.constant 64 : index
      %get3A_401 = tpu.vector_load %arg5[%get3A_398, %get3A_399, %get3A_400] {strides = array<i32>} : memref<2x64x256xf32, #tpu.memory_space<vmem>>, vector<1x1x16xf32>,
      %get3A_402 = vector.shape_cast %get3A_401 : vector<1x1x16xf32> to vector<16xf32>
      %add3A_403 = arith.addf %scan3A_323, %get3A_402 : vector<16xf32>
      %get3A_404 = arith.index_cast %select_n3A_358 : i32 to index
      %get3A_405 = arith.index_cast %select_n3A_374 : i32 to index
      %get3A_406 = arith.constant 80 : index
      %get3A_407 = tpu.vector_load %arg5[%get3A_404, %get3A_405, %get3A_406] {strides = array<i32>} : memref<2x64x256xf32, #tpu.memory_space<vmem>>, vector<1x1x16xf32>,
      %get3A_408 = vector.shape_cast %get3A_407 : vector<1x1x16xf32> to vector<16xf32>
      %add3A_409 = arith.addf %scan3A_324, %get3A_408 : vector<16xf32>
      %get3A_410 = arith.index_cast %select_n3A_358 : i32 to index
      %get3A_411 = arith.index_cast %select_n3A_374 : i32 to index
      %get3A_412 = arith.constant 96 : index
      %get3A_413 = tpu.vector_load %arg5[%get3A_410, %get3A_411, %get3A_412] {strides = array<i32>} : memref<2x64x256xf32, #tpu.memory_space<vmem>>, vector<1x1x16xf32>,
      %get3A_414 = vector.shape_cast %get3A_413 : vector<1x1x16xf32> to vector<16xf32>
      %add3A_415 = arith.addf %scan3A_325, %get3A_414 : vector<16xf32>
      %get3A_416 = arith.index_cast %select_n3A_358 : i32 to index
      %get3A_417 = arith.index_cast %select_n3A_374 : i32 to index
      %get3A_418 = arith.constant 112 : index
      %get3A_419 = tpu.vector_load %arg5[%get3A_416, %get3A_417, %get3A_418] {strides = array<i32>} : memref<2x64x256xf32, #tpu.memory_space<vmem>>, vector<1x1x16xf32>,
      %get3A_420 = vector.shape_cast %get3A_419 : vector<1x1x16xf32> to vector<16xf32>
      %add3A_421 = arith.addf %scan3A_326, %get3A_420 : vector<16xf32>
      %get3A_422 = arith.index_cast %select_n3A_358 : i32 to index
      %get3A_423 = arith.index_cast %select_n3A_374 : i32 to index
      %get3A_424 = arith.constant 128 : index
      %get3A_425 = tpu.vector_load %arg5[%get3A_422, %get3A_423, %get3A_424] {strides = array<i32>} : memref<2x64x256xf32, #tpu.memory_space<vmem>>, vector<1x1x16xf32>,
      %get3A_426 = vector.shape_cast %get3A_425 : vector<1x1x16xf32> to vector<16xf32>
      %add3A_427 = arith.addf %scan3A_327, %get3A_426 : vector<16xf32>
      %get3A_428 = arith.index_cast %select_n3A_358 : i32 to index
      %get3A_429 = arith.index_cast %select_n3A_374 : i32 to index
      %get3A_430 = arith.constant 144 : index
      %get3A_431 = tpu.vector_load %arg5[%get3A_428, %get3A_429, %get3A_430] {strides = array<i32>} : memref<2x64x256xf32, #tpu.memory_space<vmem>>, vector<1x1x16xf32>,
      %get3A_432 = vector.shape_cast %get3A_431 : vector<1x1x16xf32> to vector<16xf32>
      %add3A_433 = arith.addf %scan3A_328, %get3A_432 : vector<16xf32>
      %get3A_434 = arith.index_cast %select_n3A_358 : i32 to index
      %get3A_435 = arith.index_cast %select_n3A_374 : i32 to index
      %get3A_436 = arith.constant 160 : index
      %get3A_437 = tpu.vector_load %arg5[%get3A_434, %get3A_435, %get3A_436] {strides = array<i32>} : memref<2x64x256xf32, #tpu.memory_space<vmem>>, vector<1x1x16xf32>,
      %get3A_438 = vector.shape_cast %get3A_437 : vector<1x1x16xf32> to vector<16xf32>
      %add3A_439 = arith.addf %scan3A_329, %get3A_438 : vector<16xf32>
      %get3A_440 = arith.index_cast %select_n3A_358 : i32 to index
      %get3A_441 = arith.index_cast %select_n3A_374 : i32 to index
      %get3A_442 = arith.constant 176 : index
      %get3A_443 = tpu.vector_load %arg5[%get3A_440, %get3A_441, %get3A_442] {strides = array<i32>} : memref<2x64x256xf32, #tpu.memory_space<vmem>>, vector<1x1x16xf32>,
      %get3A_444 = vector.shape_cast %get3A_443 : vector<1x1x16xf32> to vector<16xf32>
      %add3A_445 = arith.addf %scan3A_330, %get3A_444 : vector<16xf32>
      %get3A_446 = arith.index_cast %select_n3A_358 : i32 to index
      %get3A_447 = arith.index_cast %select_n3A_374 : i32 to index
      %get3A_448 = arith.constant 192 : index
      %get3A_449 = tpu.vector_load %arg5[%get3A_446, %get3A_447, %get3A_448] {strides = array<i32>} : memref<2x64x256xf32, #tpu.memory_space<vmem>>, vector<1x1x16xf32>,
      %get3A_450 = vector.shape_cast %get3A_449 : vector<1x1x16xf32> to vector<16xf32>
      %add3A_451 = arith.addf %scan3A_331, %get3A_450 : vector<16xf32>
      %get3A_452 = arith.index_cast %select_n3A_358 : i32 to index
      %get3A_453 = arith.index_cast %select_n3A_374 : i32 to index
      %get3A_454 = arith.constant 208 : index
      %get3A_455 = tpu.vector_load %arg5[%get3A_452, %get3A_453, %get3A_454] {strides = array<i32>} : memref<2x64x256xf32, #tpu.memory_space<vmem>>, vector<1x1x16xf32>,
      %get3A_456 = vector.shape_cast %get3A_455 : vector<1x1x16xf32> to vector<16xf32>
      %add3A_457 = arith.addf %scan3A_332, %get3A_456 : vector<16xf32>
      %get3A_458 = arith.index_cast %select_n3A_358 : i32 to index
      %get3A_459 = arith.index_cast %select_n3A_374 : i32 to index
      %get3A_460 = arith.constant 224 : index
      %get3A_461 = tpu.vector_load %arg5[%get3A_458, %get3A_459, %get3A_460] {strides = array<i32>} : memref<2x64x256xf32, #tpu.memory_space<vmem>>, vector<1x1x16xf32>,
      %get3A_462 = vector.shape_cast %get3A_461 : vector<1x1x16xf32> to vector<16xf32>
      %add3A_463 = arith.addf %scan3A_333, %get3A_462 : vector<16xf32>
      %get3A_464 = arith.index_cast %select_n3A_358 : i32 to index
      %get3A_465 = arith.index_cast %select_n3A_374 : i32 to index
      %get3A_466 = arith.constant 240 : index
      %get3A_467 = tpu.vector_load %arg5[%get3A_464, %get3A_465, %get3A_466] {strides = array<i32>} : memref<2x64x256xf32, #tpu.memory_space<vmem>>, vector<1x1x16xf32>,
      %get3A_468 = vector.shape_cast %get3A_467 : vector<1x1x16xf32> to vector<16xf32>
      %add3A_469 = arith.addf %scan3A_334, %get3A_468 : vector<16xf32>
      scf.yield %add3A_379, %add3A_385, %add3A_391, %add3A_397, %add3A_403, %add3A_409, %add3A_415, %add3A_421, %add3A_427, %add3A_433, %add3A_439, %add3A_445, %add3A_451, %add3A_457, %add3A_463, %add3A_469 : vector<16xf32>, vector<16xf32>, vector<16xf32>, vector<16xf32>, vector<16xf32>, vector<16xf32>, vector<16xf32>, vector<16xf32>, vector<16xf32>, vector<16xf32>, vector<16xf32>, vector<16xf32>, vector<16xf32>, vector<16xf32>, vector<16xf32>, vector<16xf32>
    }
    %scan3A_216 = arith.constant 128 : i32
    %dma_wait3A_217 = arith.constant 0 : i32
    %dma_wait3A_218 = arith.constant 0 : i32
    %dma_wait3A_219 = tpu.memref_slice %arg2[%add3A_32, %mul3A_34, %dma_wait3A_217, %dma_wait3A_218] : memref<32x64x64x256xf32, #tpu.memory_space<hbm>> -> memref<1x2x64x256xf32, #tpu.memory_space<hbm>>
    %dma_wait3A_220 = tpu.memref_squeeze %dma_wait3A_219 : memref<1x2x64x256xf32, #tpu.memory_space<hbm>> -> memref<2x64x256xf32, #tpu.memory_space<hbm>>
    %dma_wait3A_221 = arith.constant 0 : i32
    %dma_wait3A_222 = arith.constant 0 : i32
    %dma_wait3A_223 = tpu.memref_slice %arg2[%add3A_32, %mul3A_34, %dma_wait3A_221, %dma_wait3A_222] : memref<32x64x64x256xf32, #tpu.memory_space<hbm>> -> memref<1x2x64x256xf32, #tpu.memory_space<hbm>>
    %dma_wait3A_224 = tpu.memref_squeeze %dma_wait3A_223 : memref<1x2x64x256xf32, #tpu.memory_space<hbm>> -> memref<2x64x256xf32, #tpu.memory_space<hbm>>
    tpu.wait_dma2 semaphore(%arg7 : memref<!tpu.dma_semaphore, #tpu.memory_space<semaphore_mem>>) src(%dma_wait3A_224 : memref<2x64x256xf32, #tpu.memory_space<hbm>>) dst(%arg4 : memref<2x64x256xf32, #tpu.memory_space<vmem>>)
    %add3A_225 = arith.constant 14 : i32
    %add3A_226 = arith.addi %mul3A_34, %add3A_225 : i32
    %dma_start3A_227 = arith.constant 0 : i32
    %dma_start3A_228 = arith.constant 0 : i32
    %dma_start3A_229 = tpu.memref_slice %arg2[%add3A_32, %add3A_226, %dma_start3A_227, %dma_start3A_228] : memref<32x64x64x256xf32, #tpu.memory_space<hbm>> -> memref<1x2x64x256xf32, #tpu.memory_space<hbm>>
    %dma_start3A_230 = tpu.memref_squeeze %dma_start3A_229 : memref<1x2x64x256xf32, #tpu.memory_space<hbm>> -> memref<2x64x256xf32, #tpu.memory_space<hbm>>
    %dma_start3A_231 = arith.constant 0 : i32
    %dma_start3A_232 = arith.constant 0 : i32
    %dma_start3A_233 = tpu.memref_slice %arg2[%add3A_32, %add3A_226, %dma_start3A_231, %dma_start3A_232] : memref<32x64x64x256xf32, #tpu.memory_space<hbm>> -> memref<1x2x64x256xf32, #tpu.memory_space<hbm>>
    %dma_start3A_234 = tpu.memref_squeeze %dma_start3A_233 : memref<1x2x64x256xf32, #tpu.memory_space<hbm>> -> memref<2x64x256xf32, #tpu.memory_space<hbm>>
    tpu.enqueue_dma source(%dma_start3A_234 : memref<2x64x256xf32, #tpu.memory_space<hbm>>) target(%arg5 : memref<2x64x256xf32, #tpu.memory_space<vmem>>) target_semaphore(%arg8 : memref<!tpu.dma_semaphore, #tpu.memory_space<semaphore_mem>>)
    %scan3A_235 = arith.constant 0 : i32
    %scan3A_236 = arith.constant 128 : i32
    %scan3A_237 = arith.addi %scan3A_235, %scan3A_236 : i32
    %scan3A_238 = arith.constant 1 : i32
    %scan3A_239:16 = scf.for %scan3A_318 = %scan3A_235 to %scan3A_237 step %scan3A_238 iter_args(%scan3A_319 = %scan3A_215#0, %scan3A_320 = %scan3A_215#1, %scan3A_321 = %scan3A_215#2, %scan3A_322 = %scan3A_215#3, %scan3A_323 = %scan3A_215#4, %scan3A_324 = %scan3A_215#5, %scan3A_325 = %scan3A_215#6, %scan3A_326 = %scan3A_215#7, %scan3A_327 = %scan3A_215#8, %scan3A_328 = %scan3A_215#9, %scan3A_329 = %scan3A_215#10, %scan3A_330 = %scan3A_215#11, %scan3A_331 = %scan3A_215#12, %scan3A_332 = %scan3A_215#13, %scan3A_333 = %scan3A_215#14, %scan3A_334 = %scan3A_215#15) -> (vector<16xf32>, vector<16xf32>, vector<16xf32>, vector<16xf32>, vector<16xf32>, vector<16xf32>, vector<16xf32>, vector<16xf32>, vector<16xf32>, vector<16xf32>, vector<16xf32>, vector<16xf32>, vector<16xf32>, vector<16xf32>, vector<16xf32>, vector<16xf32>)  : i32 {
      %jit3A_335 = arith.constant 64 : i32
      %div3A_336 = arith.divsi %scan3A_318, %jit3A_335 : i32
      %sign3A_337 = arith.constant 0 : i32
      %sign3A_338 = arith.cmpi sgt, %scan3A_318, %sign3A_337 : i32
      %sign3A_339 = arith.extui %sign3A_338 : i1 to i32
      %sign3A_340 = arith.constant 0 : i32
      %sign3A_341 = arith.cmpi slt, %scan3A_318, %sign3A_340 : i32
      %sign3A_342 = arith.extui %sign3A_341 : i1 to i32
      %sign3A_343 = arith.subi %sign3A_339, %sign3A_342 : i32
      %sign3A_344 = arith.constant 0 : i32
      %sign3A_345 = arith.cmpi sgt, %jit3A_335, %sign3A_344 : i32
      %sign3A_346 = arith.extui %sign3A_345 : i1 to i32
      %sign3A_347 = arith.constant 0 : i32
      %sign3A_348 = arith.cmpi slt, %jit3A_335, %sign3A_347 : i32
      %sign3A_349 = arith.extui %sign3A_348 : i1 to i32
      %sign3A_350 = arith.subi %sign3A_346, %sign3A_349 : i32
      %ne3A_351 = arith.cmpi ne, %sign3A_343, %sign3A_350 : i32
      %rem3A_352 = arith.remsi %scan3A_318, %jit3A_335 : i32
      %ne3A_353 = arith.constant 0 : i32
      %ne3A_354 = arith.cmpi ne, %rem3A_352, %ne3A_353 : i32
      %and3A_355 = arith.andi %ne3A_351, %ne3A_354 : i1
      %sub3A_356 = arith.constant 1 : i32
      %sub3A_357 = arith.subi %div3A_336, %sub3A_356 : i32
      %select_n3A_358 = arith.select %and3A_355, %sub3A_357, %div3A_336 : i32
      %jit3A_359 = arith.constant 64 : i32
      %eq3A_360 = arith.constant 0 : i32
      %eq3A_361 = arith.cmpi eq, %jit3A_359, %eq3A_360 : i32
      %jit3A_362 = arith.constant 1 : i32
      %select_n3A_363 = arith.select %eq3A_361, %jit3A_362, %jit3A_359 : i32
      %rem3A_364 = arith.remsi %scan3A_318, %select_n3A_363 : i32
      %ne3A_365 = arith.constant 0 : i32
      %ne3A_366 = arith.cmpi ne, %rem3A_364, %ne3A_365 : i32
      %lt3A_367 = arith.constant 0 : i32
      %lt3A_368 = arith.cmpi slt, %rem3A_364, %lt3A_367 : i32
      %lt3A_369 = arith.constant 0 : i32
      %lt3A_370 = arith.cmpi slt, %select_n3A_363, %lt3A_369 : i32
      %ne3A_371 = arith.xori %lt3A_368, %lt3A_370 : i1
      %and3A_372 = arith.andi %ne3A_371, %ne3A_366 : i1
      %add3A_373 = arith.addi %rem3A_364, %select_n3A_363 : i32
      %select_n3A_374 = arith.select %and3A_372, %add3A_373, %rem3A_364 : i32
      %get3A = arith.index_cast %select_n3A_358 : i32 to index
      %get3A_375 = arith.index_cast %select_n3A_374 : i32 to index
      %get3A_376 = arith.constant 0 : index
      %get3A_377 = tpu.vector_load %arg4[%get3A, %get3A_375, %get3A_376] {strides = array<i32>} : memref<2x64x256xf32, #tpu.memory_space<vmem>>, vector<1x1x16xf32>,
      %get3A_378 = vector.shape_cast %get3A_377 : vector<1x1x16xf32> to vector<16xf32>
      %add3A_379 = arith.addf %scan3A_319, %get3A_378 : vector<16xf32>
      %get3A_380 = arith.index_cast %select_n3A_358 : i32 to index
      %get3A_381 = arith.index_cast %select_n3A_374 : i32 to index
      %get3A_382 = arith.constant 16 : index
      %get3A_383 = tpu.vector_load %arg4[%get3A_380, %get3A_381, %get3A_382] {strides = array<i32>} : memref<2x64x256xf32, #tpu.memory_space<vmem>>, vector<1x1x16xf32>,
      %get3A_384 = vector.shape_cast %get3A_383 : vector<1x1x16xf32> to vector<16xf32>
      %add3A_385 = arith.addf %scan3A_320, %get3A_384 : vector<16xf32>
      %get3A_386 = arith.index_cast %select_n3A_358 : i32 to index
      %get3A_387 = arith.index_cast %select_n3A_374 : i32 to index
      %get3A_388 = arith.constant 32 : index
      %get3A_389 = tpu.vector_load %arg4[%get3A_386, %get3A_387, %get3A_388] {strides = array<i32>} : memref<2x64x256xf32, #tpu.memory_space<vmem>>, vector<1x1x16xf32>,
      %get3A_390 = vector.shape_cast %get3A_389 : vector<1x1x16xf32> to vector<16xf32>
      %add3A_391 = arith.addf %scan3A_321, %get3A_390 : vector<16xf32>
      %get3A_392 = arith.index_cast %select_n3A_358 : i32 to index
      %get3A_393 = arith.index_cast %select_n3A_374 : i32 to index
      %get3A_394 = arith.constant 48 : index
      %get3A_395 = tpu.vector_load %arg4[%get3A_392, %get3A_393, %get3A_394] {strides = array<i32>} : memref<2x64x256xf32, #tpu.memory_space<vmem>>, vector<1x1x16xf32>,
      %get3A_396 = vector.shape_cast %get3A_395 : vector<1x1x16xf32> to vector<16xf32>
      %add3A_397 = arith.addf %scan3A_322, %get3A_396 : vector<16xf32>
      %get3A_398 = arith.index_cast %select_n3A_358 : i32 to index
      %get3A_399 = arith.index_cast %select_n3A_374 : i32 to index
      %get3A_400 = arith.constant 64 : index
      %get3A_401 = tpu.vector_load %arg4[%get3A_398, %get3A_399, %get3A_400] {strides = array<i32>} : memref<2x64x256xf32, #tpu.memory_space<vmem>>, vector<1x1x16xf32>,
      %get3A_402 = vector.shape_cast %get3A_401 : vector<1x1x16xf32> to vector<16xf32>
      %add3A_403 = arith.addf %scan3A_323, %get3A_402 : vector<16xf32>
      %get3A_404 = arith.index_cast %select_n3A_358 : i32 to index
      %get3A_405 = arith.index_cast %select_n3A_374 : i32 to index
      %get3A_406 = arith.constant 80 : index
      %get3A_407 = tpu.vector_load %arg4[%get3A_404, %get3A_405, %get3A_406] {strides = array<i32>} : memref<2x64x256xf32, #tpu.memory_space<vmem>>, vector<1x1x16xf32>,
      %get3A_408 = vector.shape_cast %get3A_407 : vector<1x1x16xf32> to vector<16xf32>
      %add3A_409 = arith.addf %scan3A_324, %get3A_408 : vector<16xf32>
      %get3A_410 = arith.index_cast %select_n3A_358 : i32 to index
      %get3A_411 = arith.index_cast %select_n3A_374 : i32 to index
      %get3A_412 = arith.constant 96 : index
      %get3A_413 = tpu.vector_load %arg4[%get3A_410, %get3A_411, %get3A_412] {strides = array<i32>} : memref<2x64x256xf32, #tpu.memory_space<vmem>>, vector<1x1x16xf32>,
      %get3A_414 = vector.shape_cast %get3A_413 : vector<1x1x16xf32> to vector<16xf32>
      %add3A_415 = arith.addf %scan3A_325, %get3A_414 : vector<16xf32>
      %get3A_416 = arith.index_cast %select_n3A_358 : i32 to index
      %get3A_417 = arith.index_cast %select_n3A_374 : i32 to index
      %get3A_418 = arith.constant 112 : index
      %get3A_419 = tpu.vector_load %arg4[%get3A_416, %get3A_417, %get3A_418] {strides = array<i32>} : memref<2x64x256xf32, #tpu.memory_space<vmem>>, vector<1x1x16xf32>,
      %get3A_420 = vector.shape_cast %get3A_419 : vector<1x1x16xf32> to vector<16xf32>
      %add3A_421 = arith.addf %scan3A_326, %get3A_420 : vector<16xf32>
      %get3A_422 = arith.index_cast %select_n3A_358 : i32 to index
      %get3A_423 = arith.index_cast %select_n3A_374 : i32 to index
      %get3A_424 = arith.constant 128 : index
      %get3A_425 = tpu.vector_load %arg4[%get3A_422, %get3A_423, %get3A_424] {strides = array<i32>} : memref<2x64x256xf32, #tpu.memory_space<vmem>>, vector<1x1x16xf32>,
      %get3A_426 = vector.shape_cast %get3A_425 : vector<1x1x16xf32> to vector<16xf32>
      %add3A_427 = arith.addf %scan3A_327, %get3A_426 : vector<16xf32>
      %get3A_428 = arith.index_cast %select_n3A_358 : i32 to index
      %get3A_429 = arith.index_cast %select_n3A_374 : i32 to index
      %get3A_430 = arith.constant 144 : index
      %get3A_431 = tpu.vector_load %arg4[%get3A_428, %get3A_429, %get3A_430] {strides = array<i32>} : memref<2x64x256xf32, #tpu.memory_space<vmem>>, vector<1x1x16xf32>,
      %get3A_432 = vector.shape_cast %get3A_431 : vector<1x1x16xf32> to vector<16xf32>
      %add3A_433 = arith.addf %scan3A_328, %get3A_432 : vector<16xf32>
      %get3A_434 = arith.index_cast %select_n3A_358 : i32 to index
      %get3A_435 = arith.index_cast %select_n3A_374 : i32 to index
      %get3A_436 = arith.constant 160 : index
      %get3A_437 = tpu.vector_load %arg4[%get3A_434, %get3A_435, %get3A_436] {strides = array<i32>} : memref<2x64x256xf32, #tpu.memory_space<vmem>>, vector<1x1x16xf32>,
      %get3A_438 = vector.shape_cast %get3A_437 : vector<1x1x16xf32> to vector<16xf32>
      %add3A_439 = arith.addf %scan3A_329, %get3A_438 : vector<16xf32>
      %get3A_440 = arith.index_cast %select_n3A_358 : i32 to index
      %get3A_441 = arith.index_cast %select_n3A_374 : i32 to index
      %get3A_442 = arith.constant 176 : index
      %get3A_443 = tpu.vector_load %arg4[%get3A_440, %get3A_441, %get3A_442] {strides = array<i32>} : memref<2x64x256xf32, #tpu.memory_space<vmem>>, vector<1x1x16xf32>,
      %get3A_444 = vector.shape_cast %get3A_443 : vector<1x1x16xf32> to vector<16xf32>
      %add3A_445 = arith.addf %scan3A_330, %get3A_444 : vector<16xf32>
      %get3A_446 = arith.index_cast %select_n3A_358 : i32 to index
      %get3A_447 = arith.index_cast %select_n3A_374 : i32 to index
      %get3A_448 = arith.constant 192 : index
      %get3A_449 = tpu.vector_load %arg4[%get3A_446, %get3A_447, %get3A_448] {strides = array<i32>} : memref<2x64x256xf32, #tpu.memory_space<vmem>>, vector<1x1x16xf32>,
      %get3A_450 = vector.shape_cast %get3A_449 : vector<1x1x16xf32> to vector<16xf32>
      %add3A_451 = arith.addf %scan3A_331, %get3A_450 : vector<16xf32>
      %get3A_452 = arith.index_cast %select_n3A_358 : i32 to index
      %get3A_453 = arith.index_cast %select_n3A_374 : i32 to index
      %get3A_454 = arith.constant 208 : index
      %get3A_455 = tpu.vector_load %arg4[%get3A_452, %get3A_453, %get3A_454] {strides = array<i32>} : memref<2x64x256xf32, #tpu.memory_space<vmem>>, vector<1x1x16xf32>,
      %get3A_456 = vector.shape_cast %get3A_455 : vector<1x1x16xf32> to vector<16xf32>
      %add3A_457 = arith.addf %scan3A_332, %get3A_456 : vector<16xf32>
      %get3A_458 = arith.index_cast %select_n3A_358 : i32 to index
      %get3A_459 = arith.index_cast %select_n3A_374 : i32 to index
      %get3A_460 = arith.constant 224 : index
      %get3A_461 = tpu.vector_load %arg4[%get3A_458, %get3A_459, %get3A_460] {strides = array<i32>} : memref<2x64x256xf32, #tpu.memory_space<vmem>>, vector<1x1x16xf32>,
      %get3A_462 = vector.shape_cast %get3A_461 : vector<1x1x16xf32> to vector<16xf32>
      %add3A_463 = arith.addf %scan3A_333, %get3A_462 : vector<16xf32>
      %get3A_464 = arith.index_cast %select_n3A_358 : i32 to index
      %get3A_465 = arith.index_cast %select_n3A_374 : i32 to index
      %get3A_466 = arith.constant 240 : index
      %get3A_467 = tpu.vector_load %arg4[%get3A_464, %get3A_465, %get3A_466] {strides = array<i32>} : memref<2x64x256xf32, #tpu.memory_space<vmem>>, vector<1x1x16xf32>,
      %get3A_468 = vector.shape_cast %get3A_467 : vector<1x1x16xf32> to vector<16xf32>
      %add3A_469 = arith.addf %scan3A_334, %get3A_468 : vector<16xf32>
      scf.yield %add3A_379, %add3A_385, %add3A_391, %add3A_397, %add3A_403, %add3A_409, %add3A_415, %add3A_421, %add3A_427, %add3A_433, %add3A_439, %add3A_445, %add3A_451, %add3A_457, %add3A_463, %add3A_469 : vector<16xf32>, vector<16xf32>, vector<16xf32>, vector<16xf32>, vector<16xf32>, vector<16xf32>, vector<16xf32>, vector<16xf32>, vector<16xf32>, vector<16xf32>, vector<16xf32>, vector<16xf32>, vector<16xf32>, vector<16xf32>, vector<16xf32>, vector<16xf32>
    }
    %scan3A_240 = arith.constant 128 : i32
    %dma_wait3A_241 = arith.constant 0 : i32
    %dma_wait3A_242 = arith.constant 0 : i32
    %dma_wait3A_243 = tpu.memref_slice %arg2[%add3A_32, %mul3A_34, %dma_wait3A_241, %dma_wait3A_242] : memref<32x64x64x256xf32, #tpu.memory_space<hbm>> -> memref<1x2x64x256xf32, #tpu.memory_space<hbm>>
    %dma_wait3A_244 = tpu.memref_squeeze %dma_wait3A_243 : memref<1x2x64x256xf32, #tpu.memory_space<hbm>> -> memref<2x64x256xf32, #tpu.memory_space<hbm>>
    %dma_wait3A_245 = arith.constant 0 : i32
    %dma_wait3A_246 = arith.constant 0 : i32
    %dma_wait3A_247 = tpu.memref_slice %arg2[%add3A_32, %mul3A_34, %dma_wait3A_245, %dma_wait3A_246] : memref<32x64x64x256xf32, #tpu.memory_space<hbm>> -> memref<1x2x64x256xf32, #tpu.memory_space<hbm>>
    %dma_wait3A_248 = tpu.memref_squeeze %dma_wait3A_247 : memref<1x2x64x256xf32, #tpu.memory_space<hbm>> -> memref<2x64x256xf32, #tpu.memory_space<hbm>>
    tpu.wait_dma2 semaphore(%arg8 : memref<!tpu.dma_semaphore, #tpu.memory_space<semaphore_mem>>) src(%dma_wait3A_248 : memref<2x64x256xf32, #tpu.memory_space<hbm>>) dst(%arg5 : memref<2x64x256xf32, #tpu.memory_space<vmem>>)
    %scan3A_249 = arith.constant 0 : i32
    %scan3A_250 = arith.constant 128 : i32
    %scan3A_251 = arith.addi %scan3A_249, %scan3A_250 : i32
    %scan3A_252 = arith.constant 1 : i32
    %scan3A_253:16 = scf.for %scan3A_318 = %scan3A_249 to %scan3A_251 step %scan3A_252 iter_args(%scan3A_319 = %scan3A_239#0, %scan3A_320 = %scan3A_239#1, %scan3A_321 = %scan3A_239#2, %scan3A_322 = %scan3A_239#3, %scan3A_323 = %scan3A_239#4, %scan3A_324 = %scan3A_239#5, %scan3A_325 = %scan3A_239#6, %scan3A_326 = %scan3A_239#7, %scan3A_327 = %scan3A_239#8, %scan3A_328 = %scan3A_239#9, %scan3A_329 = %scan3A_239#10, %scan3A_330 = %scan3A_239#11, %scan3A_331 = %scan3A_239#12, %scan3A_332 = %scan3A_239#13, %scan3A_333 = %scan3A_239#14, %scan3A_334 = %scan3A_239#15) -> (vector<16xf32>, vector<16xf32>, vector<16xf32>, vector<16xf32>, vector<16xf32>, vector<16xf32>, vector<16xf32>, vector<16xf32>, vector<16xf32>, vector<16xf32>, vector<16xf32>, vector<16xf32>, vector<16xf32>, vector<16xf32>, vector<16xf32>, vector<16xf32>)  : i32 {
      %jit3A_335 = arith.constant 64 : i32
      %div3A_336 = arith.divsi %scan3A_318, %jit3A_335 : i32
      %sign3A_337 = arith.constant 0 : i32
      %sign3A_338 = arith.cmpi sgt, %scan3A_318, %sign3A_337 : i32
      %sign3A_339 = arith.extui %sign3A_338 : i1 to i32
      %sign3A_340 = arith.constant 0 : i32
      %sign3A_341 = arith.cmpi slt, %scan3A_318, %sign3A_340 : i32
      %sign3A_342 = arith.extui %sign3A_341 : i1 to i32
      %sign3A_343 = arith.subi %sign3A_339, %sign3A_342 : i32
      %sign3A_344 = arith.constant 0 : i32
      %sign3A_345 = arith.cmpi sgt, %jit3A_335, %sign3A_344 : i32
      %sign3A_346 = arith.extui %sign3A_345 : i1 to i32
      %sign3A_347 = arith.constant 0 : i32
      %sign3A_348 = arith.cmpi slt, %jit3A_335, %sign3A_347 : i32
      %sign3A_349 = arith.extui %sign3A_348 : i1 to i32
      %sign3A_350 = arith.subi %sign3A_346, %sign3A_349 : i32
      %ne3A_351 = arith.cmpi ne, %sign3A_343, %sign3A_350 : i32
      %rem3A_352 = arith.remsi %scan3A_318, %jit3A_335 : i32
      %ne3A_353 = arith.constant 0 : i32
      %ne3A_354 = arith.cmpi ne, %rem3A_352, %ne3A_353 : i32
      %and3A_355 = arith.andi %ne3A_351, %ne3A_354 : i1
      %sub3A_356 = arith.constant 1 : i32
      %sub3A_357 = arith.subi %div3A_336, %sub3A_356 : i32
      %select_n3A_358 = arith.select %and3A_355, %sub3A_357, %div3A_336 : i32
      %jit3A_359 = arith.constant 64 : i32
      %eq3A_360 = arith.constant 0 : i32
      %eq3A_361 = arith.cmpi eq, %jit3A_359, %eq3A_360 : i32
      %jit3A_362 = arith.constant 1 : i32
      %select_n3A_363 = arith.select %eq3A_361, %jit3A_362, %jit3A_359 : i32
      %rem3A_364 = arith.remsi %scan3A_318, %select_n3A_363 : i32
      %ne3A_365 = arith.constant 0 : i32
      %ne3A_366 = arith.cmpi ne, %rem3A_364, %ne3A_365 : i32
      %lt3A_367 = arith.constant 0 : i32
      %lt3A_368 = arith.cmpi slt, %rem3A_364, %lt3A_367 : i32
      %lt3A_369 = arith.constant 0 : i32
      %lt3A_370 = arith.cmpi slt, %select_n3A_363, %lt3A_369 : i32
      %ne3A_371 = arith.xori %lt3A_368, %lt3A_370 : i1
      %and3A_372 = arith.andi %ne3A_371, %ne3A_366 : i1
      %add3A_373 = arith.addi %rem3A_364, %select_n3A_363 : i32
      %select_n3A_374 = arith.select %and3A_372, %add3A_373, %rem3A_364 : i32
      %get3A = arith.index_cast %select_n3A_358 : i32 to index
      %get3A_375 = arith.index_cast %select_n3A_374 : i32 to index
      %get3A_376 = arith.constant 0 : index
      %get3A_377 = tpu.vector_load %arg5[%get3A, %get3A_375, %get3A_376] {strides = array<i32>} : memref<2x64x256xf32, #tpu.memory_space<vmem>>, vector<1x1x16xf32>,
      %get3A_378 = vector.shape_cast %get3A_377 : vector<1x1x16xf32> to vector<16xf32>
      %add3A_379 = arith.addf %scan3A_319, %get3A_378 : vector<16xf32>
      %get3A_380 = arith.index_cast %select_n3A_358 : i32 to index
      %get3A_381 = arith.index_cast %select_n3A_374 : i32 to index
      %get3A_382 = arith.constant 16 : index
      %get3A_383 = tpu.vector_load %arg5[%get3A_380, %get3A_381, %get3A_382] {strides = array<i32>} : memref<2x64x256xf32, #tpu.memory_space<vmem>>, vector<1x1x16xf32>,
      %get3A_384 = vector.shape_cast %get3A_383 : vector<1x1x16xf32> to vector<16xf32>
      %add3A_385 = arith.addf %scan3A_320, %get3A_384 : vector<16xf32>
      %get3A_386 = arith.index_cast %select_n3A_358 : i32 to index
      %get3A_387 = arith.index_cast %select_n3A_374 : i32 to index
      %get3A_388 = arith.constant 32 : index
      %get3A_389 = tpu.vector_load %arg5[%get3A_386, %get3A_387, %get3A_388] {strides = array<i32>} : memref<2x64x256xf32, #tpu.memory_space<vmem>>, vector<1x1x16xf32>,
      %get3A_390 = vector.shape_cast %get3A_389 : vector<1x1x16xf32> to vector<16xf32>
      %add3A_391 = arith.addf %scan3A_321, %get3A_390 : vector<16xf32>
      %get3A_392 = arith.index_cast %select_n3A_358 : i32 to index
      %get3A_393 = arith.index_cast %select_n3A_374 : i32 to index
      %get3A_394 = arith.constant 48 : index
      %get3A_395 = tpu.vector_load %arg5[%get3A_392, %get3A_393, %get3A_394] {strides = array<i32>} : memref<2x64x256xf32, #tpu.memory_space<vmem>>, vector<1x1x16xf32>,
      %get3A_396 = vector.shape_cast %get3A_395 : vector<1x1x16xf32> to vector<16xf32>
      %add3A_397 = arith.addf %scan3A_322, %get3A_396 : vector<16xf32>
      %get3A_398 = arith.index_cast %select_n3A_358 : i32 to index
      %get3A_399 = arith.index_cast %select_n3A_374 : i32 to index
      %get3A_400 = arith.constant 64 : index
      %get3A_401 = tpu.vector_load %arg5[%get3A_398, %get3A_399, %get3A_400] {strides = array<i32>} : memref<2x64x256xf32, #tpu.memory_space<vmem>>, vector<1x1x16xf32>,
      %get3A_402 = vector.shape_cast %get3A_401 : vector<1x1x16xf32> to vector<16xf32>
      %add3A_403 = arith.addf %scan3A_323, %get3A_402 : vector<16xf32>
      %get3A_404 = arith.index_cast %select_n3A_358 : i32 to index
      %get3A_405 = arith.index_cast %select_n3A_374 : i32 to index
      %get3A_406 = arith.constant 80 : index
      %get3A_407 = tpu.vector_load %arg5[%get3A_404, %get3A_405, %get3A_406] {strides = array<i32>} : memref<2x64x256xf32, #tpu.memory_space<vmem>>, vector<1x1x16xf32>,
      %get3A_408 = vector.shape_cast %get3A_407 : vector<1x1x16xf32> to vector<16xf32>
      %add3A_409 = arith.addf %scan3A_324, %get3A_408 : vector<16xf32>
      %get3A_410 = arith.index_cast %select_n3A_358 : i32 to index
      %get3A_411 = arith.index_cast %select_n3A_374 : i32 to index
      %get3A_412 = arith.constant 96 : index
      %get3A_413 = tpu.vector_load %arg5[%get3A_410, %get3A_411, %get3A_412] {strides = array<i32>} : memref<2x64x256xf32, #tpu.memory_space<vmem>>, vector<1x1x16xf32>,
      %get3A_414 = vector.shape_cast %get3A_413 : vector<1x1x16xf32> to vector<16xf32>
      %add3A_415 = arith.addf %scan3A_325, %get3A_414 : vector<16xf32>
      %get3A_416 = arith.index_cast %select_n3A_358 : i32 to index
      %get3A_417 = arith.index_cast %select_n3A_374 : i32 to index
      %get3A_418 = arith.constant 112 : index
      %get3A_419 = tpu.vector_load %arg5[%get3A_416, %get3A_417, %get3A_418] {strides = array<i32>} : memref<2x64x256xf32, #tpu.memory_space<vmem>>, vector<1x1x16xf32>,
      %get3A_420 = vector.shape_cast %get3A_419 : vector<1x1x16xf32> to vector<16xf32>
      %add3A_421 = arith.addf %scan3A_326, %get3A_420 : vector<16xf32>
      %get3A_422 = arith.index_cast %select_n3A_358 : i32 to index
      %get3A_423 = arith.index_cast %select_n3A_374 : i32 to index
      %get3A_424 = arith.constant 128 : index
      %get3A_425 = tpu.vector_load %arg5[%get3A_422, %get3A_423, %get3A_424] {strides = array<i32>} : memref<2x64x256xf32, #tpu.memory_space<vmem>>, vector<1x1x16xf32>,
      %get3A_426 = vector.shape_cast %get3A_425 : vector<1x1x16xf32> to vector<16xf32>
      %add3A_427 = arith.addf %scan3A_327, %get3A_426 : vector<16xf32>
      %get3A_428 = arith.index_cast %select_n3A_358 : i32 to index
      %get3A_429 = arith.index_cast %select_n3A_374 : i32 to index
      %get3A_430 = arith.constant 144 : index
      %get3A_431 = tpu.vector_load %arg5[%get3A_428, %get3A_429, %get3A_430] {strides = array<i32>} : memref<2x64x256xf32, #tpu.memory_space<vmem>>, vector<1x1x16xf32>,
      %get3A_432 = vector.shape_cast %get3A_431 : vector<1x1x16xf32> to vector<16xf32>
      %add3A_433 = arith.addf %scan3A_328, %get3A_432 : vector<16xf32>
      %get3A_434 = arith.index_cast %select_n3A_358 : i32 to index
      %get3A_435 = arith.index_cast %select_n3A_374 : i32 to index
      %get3A_436 = arith.constant 160 : index
      %get3A_437 = tpu.vector_load %arg5[%get3A_434, %get3A_435, %get3A_436] {strides = array<i32>} : memref<2x64x256xf32, #tpu.memory_space<vmem>>, vector<1x1x16xf32>,
      %get3A_438 = vector.shape_cast %get3A_437 : vector<1x1x16xf32> to vector<16xf32>
      %add3A_439 = arith.addf %scan3A_329, %get3A_438 : vector<16xf32>
      %get3A_440 = arith.index_cast %select_n3A_358 : i32 to index
      %get3A_441 = arith.index_cast %select_n3A_374 : i32 to index
      %get3A_442 = arith.constant 176 : index
      %get3A_443 = tpu.vector_load %arg5[%get3A_440, %get3A_441, %get3A_442] {strides = array<i32>} : memref<2x64x256xf32, #tpu.memory_space<vmem>>, vector<1x1x16xf32>,
      %get3A_444 = vector.shape_cast %get3A_443 : vector<1x1x16xf32> to vector<16xf32>
      %add3A_445 = arith.addf %scan3A_330, %get3A_444 : vector<16xf32>
      %get3A_446 = arith.index_cast %select_n3A_358 : i32 to index
      %get3A_447 = arith.index_cast %select_n3A_374 : i32 to index
      %get3A_448 = arith.constant 192 : index
      %get3A_449 = tpu.vector_load %arg5[%get3A_446, %get3A_447, %get3A_448] {strides = array<i32>} : memref<2x64x256xf32, #tpu.memory_space<vmem>>, vector<1x1x16xf32>,
      %get3A_450 = vector.shape_cast %get3A_449 : vector<1x1x16xf32> to vector<16xf32>
      %add3A_451 = arith.addf %scan3A_331, %get3A_450 : vector<16xf32>
      %get3A_452 = arith.index_cast %select_n3A_358 : i32 to index
      %get3A_453 = arith.index_cast %select_n3A_374 : i32 to index
      %get3A_454 = arith.constant 208 : index
      %get3A_455 = tpu.vector_load %arg5[%get3A_452, %get3A_453, %get3A_454] {strides = array<i32>} : memref<2x64x256xf32, #tpu.memory_space<vmem>>, vector<1x1x16xf32>,
      %get3A_456 = vector.shape_cast %get3A_455 : vector<1x1x16xf32> to vector<16xf32>
      %add3A_457 = arith.addf %scan3A_332, %get3A_456 : vector<16xf32>
      %get3A_458 = arith.index_cast %select_n3A_358 : i32 to index
      %get3A_459 = arith.index_cast %select_n3A_374 : i32 to index
      %get3A_460 = arith.constant 224 : index
      %get3A_461 = tpu.vector_load %arg5[%get3A_458, %get3A_459, %get3A_460] {strides = array<i32>} : memref<2x64x256xf32, #tpu.memory_space<vmem>>, vector<1x1x16xf32>,
      %get3A_462 = vector.shape_cast %get3A_461 : vector<1x1x16xf32> to vector<16xf32>
      %add3A_463 = arith.addf %scan3A_333, %get3A_462 : vector<16xf32>
      %get3A_464 = arith.index_cast %select_n3A_358 : i32 to index
      %get3A_465 = arith.index_cast %select_n3A_374 : i32 to index
      %get3A_466 = arith.constant 240 : index
      %get3A_467 = tpu.vector_load %arg5[%get3A_464, %get3A_465, %get3A_466] {strides = array<i32>} : memref<2x64x256xf32, #tpu.memory_space<vmem>>, vector<1x1x16xf32>,
      %get3A_468 = vector.shape_cast %get3A_467 : vector<1x1x16xf32> to vector<16xf32>
      %add3A_469 = arith.addf %scan3A_334, %get3A_468 : vector<16xf32>
      scf.yield %add3A_379, %add3A_385, %add3A_391, %add3A_397, %add3A_403, %add3A_409, %add3A_415, %add3A_421, %add3A_427, %add3A_433, %add3A_439, %add3A_445, %add3A_451, %add3A_457, %add3A_463, %add3A_469 : vector<16xf32>, vector<16xf32>, vector<16xf32>, vector<16xf32>, vector<16xf32>, vector<16xf32>, vector<16xf32>, vector<16xf32>, vector<16xf32>, vector<16xf32>, vector<16xf32>, vector<16xf32>, vector<16xf32>, vector<16xf32>, vector<16xf32>, vector<16xf32>
    }
    %scan3A_254 = arith.constant 128 : i32
    %swap3A = arith.constant 0 : index
    %swap3A_255 = tpu.vector_load %arg6[%swap3A] {strides = array<i32>} : memref<256xf32, #tpu.memory_space<vmem>>, vector<16xf32>,
    %swap3A_256 = vector.shape_cast %swap3A_255 : vector<16xf32> to vector<16xf32>
    %swap3A_257 = vector.shape_cast %scan3A_253#0 : vector<16xf32> to vector<16xf32>
    tpu.vector_store %arg6[%swap3A], %swap3A_257 {strides = array<i32>} : memref<256xf32, #tpu.memory_space<vmem>>, vector<16xf32>,
    %swap3A_258 = arith.constant 16 : index
    %swap3A_259 = tpu.vector_load %arg6[%swap3A_258] {strides = array<i32>} : memref<256xf32, #tpu.memory_space<vmem>>, vector<16xf32>,
    %swap3A_260 = vector.shape_cast %swap3A_259 : vector<16xf32> to vector<16xf32>
    %swap3A_261 = vector.shape_cast %scan3A_253#1 : vector<16xf32> to vector<16xf32>
    tpu.vector_store %arg6[%swap3A_258], %swap3A_261 {strides = array<i32>} : memref<256xf32, #tpu.memory_space<vmem>>, vector<16xf32>,
    %swap3A_262 = arith.constant 32 : index
    %swap3A_263 = tpu.vector_load %arg6[%swap3A_262] {strides = array<i32>} : memref<256xf32, #tpu.memory_space<vmem>>, vector<16xf32>,
    %swap3A_264 = vector.shape_cast %swap3A_263 : vector<16xf32> to vector<16xf32>
    %swap3A_265 = vector.shape_cast %scan3A_253#2 : vector<16xf32> to vector<16xf32>
    tpu.vector_store %arg6[%swap3A_262], %swap3A_265 {strides = array<i32>} : memref<256xf32, #tpu.memory_space<vmem>>, vector<16xf32>,
    %swap3A_266 = arith.constant 48 : index
    %swap3A_267 = tpu.vector_load %arg6[%swap3A_266] {strides = array<i32>} : memref<256xf32, #tpu.memory_space<vmem>>, vector<16xf32>,
    %swap3A_268 = vector.shape_cast %swap3A_267 : vector<16xf32> to vector<16xf32>
    %swap3A_269 = vector.shape_cast %scan3A_253#3 : vector<16xf32> to vector<16xf32>
    tpu.vector_store %arg6[%swap3A_266], %swap3A_269 {strides = array<i32>} : memref<256xf32, #tpu.memory_space<vmem>>, vector<16xf32>,
    %swap3A_270 = arith.constant 64 : index
    %swap3A_271 = tpu.vector_load %arg6[%swap3A_270] {strides = array<i32>} : memref<256xf32, #tpu.memory_space<vmem>>, vector<16xf32>,
    %swap3A_272 = vector.shape_cast %swap3A_271 : vector<16xf32> to vector<16xf32>
    %swap3A_273 = vector.shape_cast %scan3A_253#4 : vector<16xf32> to vector<16xf32>
    tpu.vector_store %arg6[%swap3A_270], %swap3A_273 {strides = array<i32>} : memref<256xf32, #tpu.memory_space<vmem>>, vector<16xf32>,
    %swap3A_274 = arith.constant 80 : index
    %swap3A_275 = tpu.vector_load %arg6[%swap3A_274] {strides = array<i32>} : memref<256xf32, #tpu.memory_space<vmem>>, vector<16xf32>,
    %swap3A_276 = vector.shape_cast %swap3A_275 : vector<16xf32> to vector<16xf32>
    %swap3A_277 = vector.shape_cast %scan3A_253#5 : vector<16xf32> to vector<16xf32>
    tpu.vector_store %arg6[%swap3A_274], %swap3A_277 {strides = array<i32>} : memref<256xf32, #tpu.memory_space<vmem>>, vector<16xf32>,
    %swap3A_278 = arith.constant 96 : index
    %swap3A_279 = tpu.vector_load %arg6[%swap3A_278] {strides = array<i32>} : memref<256xf32, #tpu.memory_space<vmem>>, vector<16xf32>,
    %swap3A_280 = vector.shape_cast %swap3A_279 : vector<16xf32> to vector<16xf32>
    %swap3A_281 = vector.shape_cast %scan3A_253#6 : vector<16xf32> to vector<16xf32>
    tpu.vector_store %arg6[%swap3A_278], %swap3A_281 {strides = array<i32>} : memref<256xf32, #tpu.memory_space<vmem>>, vector<16xf32>,
    %swap3A_282 = arith.constant 112 : index
    %swap3A_283 = tpu.vector_load %arg6[%swap3A_282] {strides = array<i32>} : memref<256xf32, #tpu.memory_space<vmem>>, vector<16xf32>,
    %swap3A_284 = vector.shape_cast %swap3A_283 : vector<16xf32> to vector<16xf32>
    %swap3A_285 = vector.shape_cast %scan3A_253#7 : vector<16xf32> to vector<16xf32>
    tpu.vector_store %arg6[%swap3A_282], %swap3A_285 {strides = array<i32>} : memref<256xf32, #tpu.memory_space<vmem>>, vector<16xf32>,
    %swap3A_286 = arith.constant 128 : index
    %swap3A_287 = tpu.vector_load %arg6[%swap3A_286] {strides = array<i32>} : memref<256xf32, #tpu.memory_space<vmem>>, vector<16xf32>,
    %swap3A_288 = vector.shape_cast %swap3A_287 : vector<16xf32> to vector<16xf32>
    %swap3A_289 = vector.shape_cast %scan3A_253#8 : vector<16xf32> to vector<16xf32>
    tpu.vector_store %arg6[%swap3A_286], %swap3A_289 {strides = array<i32>} : memref<256xf32, #tpu.memory_space<vmem>>, vector<16xf32>,
    %swap3A_290 = arith.constant 144 : index
    %swap3A_291 = tpu.vector_load %arg6[%swap3A_290] {strides = array<i32>} : memref<256xf32, #tpu.memory_space<vmem>>, vector<16xf32>,
    %swap3A_292 = vector.shape_cast %swap3A_291 : vector<16xf32> to vector<16xf32>
    %swap3A_293 = vector.shape_cast %scan3A_253#9 : vector<16xf32> to vector<16xf32>
    tpu.vector_store %arg6[%swap3A_290], %swap3A_293 {strides = array<i32>} : memref<256xf32, #tpu.memory_space<vmem>>, vector<16xf32>,
    %swap3A_294 = arith.constant 160 : index
    %swap3A_295 = tpu.vector_load %arg6[%swap3A_294] {strides = array<i32>} : memref<256xf32, #tpu.memory_space<vmem>>, vector<16xf32>,
    %swap3A_296 = vector.shape_cast %swap3A_295 : vector<16xf32> to vector<16xf32>
    %swap3A_297 = vector.shape_cast %scan3A_253#10 : vector<16xf32> to vector<16xf32>
    tpu.vector_store %arg6[%swap3A_294], %swap3A_297 {strides = array<i32>} : memref<256xf32, #tpu.memory_space<vmem>>, vector<16xf32>,
    %swap3A_298 = arith.constant 176 : index
    %swap3A_299 = tpu.vector_load %arg6[%swap3A_298] {strides = array<i32>} : memref<256xf32, #tpu.memory_space<vmem>>, vector<16xf32>,
    %swap3A_300 = vector.shape_cast %swap3A_299 : vector<16xf32> to vector<16xf32>
    %swap3A_301 = vector.shape_cast %scan3A_253#11 : vector<16xf32> to vector<16xf32>
    tpu.vector_store %arg6[%swap3A_298], %swap3A_301 {strides = array<i32>} : memref<256xf32, #tpu.memory_space<vmem>>, vector<16xf32>,
    %swap3A_302 = arith.constant 192 : index
    %swap3A_303 = tpu.vector_load %arg6[%swap3A_302] {strides = array<i32>} : memref<256xf32, #tpu.memory_space<vmem>>, vector<16xf32>,
    %swap3A_304 = vector.shape_cast %swap3A_303 : vector<16xf32> to vector<16xf32>
    %swap3A_305 = vector.shape_cast %scan3A_253#12 : vector<16xf32> to vector<16xf32>
    tpu.vector_store %arg6[%swap3A_302], %swap3A_305 {strides = array<i32>} : memref<256xf32, #tpu.memory_space<vmem>>, vector<16xf32>,
    %swap3A_306 = arith.constant 208 : index
    %swap3A_307 = tpu.vector_load %arg6[%swap3A_306] {strides = array<i32>} : memref<256xf32, #tpu.memory_space<vmem>>, vector<16xf32>,
    %swap3A_308 = vector.shape_cast %swap3A_307 : vector<16xf32> to vector<16xf32>
    %swap3A_309 = vector.shape_cast %scan3A_253#13 : vector<16xf32> to vector<16xf32>
    tpu.vector_store %arg6[%swap3A_306], %swap3A_309 {strides = array<i32>} : memref<256xf32, #tpu.memory_space<vmem>>, vector<16xf32>,
    %swap3A_310 = arith.constant 224 : index
    %swap3A_311 = tpu.vector_load %arg6[%swap3A_310] {strides = array<i32>} : memref<256xf32, #tpu.memory_space<vmem>>, vector<16xf32>,
    %swap3A_312 = vector.shape_cast %swap3A_311 : vector<16xf32> to vector<16xf32>
    %swap3A_313 = vector.shape_cast %scan3A_253#14 : vector<16xf32> to vector<16xf32>
    tpu.vector_store %arg6[%swap3A_310], %swap3A_313 {strides = array<i32>} : memref<256xf32, #tpu.memory_space<vmem>>, vector<16xf32>,
    %swap3A_314 = arith.constant 240 : index
    %swap3A_315 = tpu.vector_load %arg6[%swap3A_314] {strides = array<i32>} : memref<256xf32, #tpu.memory_space<vmem>>, vector<16xf32>,
    %swap3A_316 = vector.shape_cast %swap3A_315 : vector<16xf32> to vector<16xf32>
    %swap3A_317 = vector.shape_cast %scan3A_253#15 : vector<16xf32> to vector<16xf32>
    tpu.vector_store %arg6[%swap3A_314], %swap3A_317 {strides = array<i32>} : memref<256xf32, #tpu.memory_space<vmem>>, vector<16xf32>,
    "tpu.region"() ({
      %run_scoped3A = tpu.sem_alloc : memref<!tpu.dma_semaphore, #tpu.memory_space<semaphore_mem>>
      %dma_start3A_318 = arith.constant 0 : i32
      %dma_start3A_319 = tpu.memref_slice %arg3[%select_n3A_30, %select_n3A_9, %dma_start3A_318] : memref<4x8x256xf32, #tpu.memory_space<hbm>> -> memref<1x1x256xf32, #tpu.memory_space<hbm>>
      %dma_start3A_320 = tpu.memref_squeeze %dma_start3A_319 : memref<1x1x256xf32, #tpu.memory_space<hbm>> -> memref<256xf32, #tpu.memory_space<hbm>>
      %dma_start3A_321 = arith.constant 0 : i32
      %dma_start3A_322 = tpu.memref_slice %arg3[%select_n3A_30, %select_n3A_9, %dma_start3A_321] : memref<4x8x256xf32, #tpu.memory_space<hbm>> -> memref<1x1x256xf32, #tpu.memory_space<hbm>>
      %dma_start3A_323 = tpu.memref_squeeze %dma_start3A_322 : memref<1x1x256xf32, #tpu.memory_space<hbm>> -> memref<256xf32, #tpu.memory_space<hbm>>
      tpu.enqueue_dma source(%arg6 : memref<256xf32, #tpu.memory_space<vmem>>) target(%dma_start3A_323 : memref<256xf32, #tpu.memory_space<hbm>>) target_semaphore(%run_scoped3A : memref<!tpu.dma_semaphore, #tpu.memory_space<semaphore_mem>>)
      %dma_wait3A_324 = arith.constant 0 : i32
      %dma_wait3A_325 = tpu.memref_slice %arg3[%select_n3A_30, %select_n3A_9, %dma_wait3A_324] : memref<4x8x256xf32, #tpu.memory_space<hbm>> -> memref<1x1x256xf32, #tpu.memory_space<hbm>>
      %dma_wait3A_326 = tpu.memref_squeeze %dma_wait3A_325 : memref<1x1x256xf32, #tpu.memory_space<hbm>> -> memref<256xf32, #tpu.memory_space<hbm>>
      %dma_wait3A_327 = arith.constant 0 : i32
      %dma_wait3A_328 = tpu.memref_slice %arg3[%select_n3A_30, %select_n3A_9, %dma_wait3A_327] : memref<4x8x256xf32, #tpu.memory_space<hbm>> -> memref<1x1x256xf32, #tpu.memory_space<hbm>>
      %dma_wait3A_329 = tpu.memref_squeeze %dma_wait3A_328 : memref<1x1x256xf32, #tpu.memory_space<hbm>> -> memref<256xf32, #tpu.memory_space<hbm>>
      tpu.wait_dma2 semaphore(%run_scoped3A : memref<!tpu.dma_semaphore, #tpu.memory_space<semaphore_mem>>) src(%arg6 : memref<256xf32, #tpu.memory_space<vmem>>) dst(%dma_wait3A_329 : memref<256xf32, #tpu.memory_space<hbm>>)
      tpu.yield
    }) : () -> ()
    return
  }
}

module attributes {stable_mosaic.version = 14 : i64} {
  func.func @_mlp_body(%arg0: memref<24x256xf32, #tpu.memory_space<vmem>>, %arg1: memref<4x8x256xf32, #tpu.memory_space<vmem>>, %arg2: memref<256x128xf32, #tpu.memory_space<vmem>>, %arg3: memref<1x128xf32, #tpu.memory_space<vmem>>, %arg4: memref<128x4xf32, #tpu.memory_space<vmem>>, %arg5: memref<1x4xf32, #tpu.memory_space<vmem>>, %arg6: memref<32x4xf32, #tpu.memory_space<vmem>>) attributes {dimension_semantics = [], scalar_prefetch = 0 : i64, scratch_operands = 0 : i64, tpu.core_type = #tpu.core_type<tc>} {
    %get3A = arith.constant 0 : index
    %get3A_0 = arith.constant 0 : index
    %get3A_1 = arith.constant 0 : index
    %get3A_2 = vector.load %arg1[%get3A, %get3A_0, %get3A_1] : memref<4x8x256xf32, #tpu.memory_space<vmem>>, vector<1x8x256xf32>
    %get3A_3 = vector.shape_cast %get3A_2 : vector<1x8x256xf32> to vector<8x256xf32>
    %get3A_4 = arith.constant 1 : index
    %get3A_5 = arith.constant 0 : index
    %get3A_6 = arith.constant 0 : index
    %get3A_7 = vector.load %arg1[%get3A_4, %get3A_5, %get3A_6] : memref<4x8x256xf32, #tpu.memory_space<vmem>>, vector<1x8x256xf32>
    %get3A_8 = vector.shape_cast %get3A_7 : vector<1x8x256xf32> to vector<8x256xf32>
    %add3A = arith.addf %get3A_3, %get3A_8 : vector<8x256xf32>
    %get3A_9 = arith.constant 2 : index
    %get3A_10 = arith.constant 0 : index
    %get3A_11 = arith.constant 0 : index
    %get3A_12 = vector.load %arg1[%get3A_9, %get3A_10, %get3A_11] : memref<4x8x256xf32, #tpu.memory_space<vmem>>, vector<1x8x256xf32>
    %get3A_13 = vector.shape_cast %get3A_12 : vector<1x8x256xf32> to vector<8x256xf32>
    %add3A_14 = arith.addf %add3A, %get3A_13 : vector<8x256xf32>
    %get3A_15 = arith.constant 3 : index
    %get3A_16 = arith.constant 0 : index
    %get3A_17 = arith.constant 0 : index
    %get3A_18 = vector.load %arg1[%get3A_15, %get3A_16, %get3A_17] : memref<4x8x256xf32, #tpu.memory_space<vmem>>, vector<1x8x256xf32>
    %get3A_19 = vector.shape_cast %get3A_18 : vector<1x8x256xf32> to vector<8x256xf32>
    %add3A_20 = arith.addf %add3A_14, %get3A_19 : vector<8x256xf32>
    %get3A_21 = arith.constant 0 : index
    %get3A_22 = arith.constant 0 : index
    %get3A_23 = vector.load %arg0[%get3A_21, %get3A_22] : memref<24x256xf32, #tpu.memory_space<vmem>>, vector<24x256xf32>
    %concatenate3A = tpu.concatenate %get3A_23, %add3A_20 in 0 : vector<24x256xf32>, vector<8x256xf32> -> vector<32x256xf32>
    %mul3A = arith.constant 2.44140625E-4 : f32
    %mul3A_24 = vector.broadcast %mul3A : f32 to vector<32x256xf32>
    %mul3A_25 = arith.mulf %concatenate3A, %mul3A_24 : vector<32x256xf32>
    %get3A_26 = arith.constant 0 : index
    %get3A_27 = arith.constant 0 : index
    %get3A_28 = vector.load %arg2[%get3A_26, %get3A_27] : memref<256x128xf32, #tpu.memory_space<vmem>>, vector<256x128xf32>
    %dot_general3A = arith.constant dense<0.000000e+00> : vector<32x128xf32>
    %dot_general3A_29 = tpu.matmul %mul3A_25, %get3A_28, %dot_general3A {dimension_numbers = #tpu.dot_dimension_numbers<[1], [0], [0], [1], [0, 0, 1, 1], [], []>, precision = #tpu.contract_precision<fp32>, transpose_lhs_hint = false} : vector<32x256xf32>, vector<256x128xf32>, vector<32x128xf32> -> vector<32x128xf32>
    %get3A_30 = arith.constant 0 : index
    %get3A_31 = arith.constant 0 : index
    %get3A_32 = vector.load %arg3[%get3A_30, %get3A_31] : memref<1x128xf32, #tpu.memory_space<vmem>>, vector<1x128xf32>
    %add3A_33 = vector.broadcast %get3A_32 : vector<1x128xf32> to vector<32x128xf32>
    %add3A_34 = arith.addf %dot_general3A_29, %add3A_33 : vector<32x128xf32>
    %mul3A_35 = arith.constant 5.000000e-01 : f32
    %mul3A_36 = vector.broadcast %mul3A_35 : f32 to vector<32x128xf32>
    %mul3A_37 = arith.mulf %mul3A_36, %add3A_34 : vector<32x128xf32>
    %mul3A_38 = arith.constant 0.707106769 : f32
    %mul3A_39 = vector.broadcast %mul3A_38 : f32 to vector<32x128xf32>
    %mul3A_40 = arith.mulf %add3A_34, %mul3A_39 : vector<32x128xf32>
    %erf3A = math.erf %mul3A_40 : vector<32x128xf32>
    %add3A_41 = arith.constant 1.000000e+00 : f32
    %add3A_42 = vector.broadcast %add3A_41 : f32 to vector<32x128xf32>
    %add3A_43 = arith.addf %add3A_42, %erf3A : vector<32x128xf32>
    %mul3A_44 = arith.mulf %mul3A_37, %add3A_43 : vector<32x128xf32>
    %get3A_45 = arith.constant 0 : index
    %get3A_46 = arith.constant 0 : index
    %get3A_47 = vector.load %arg4[%get3A_45, %get3A_46] : memref<128x4xf32, #tpu.memory_space<vmem>>, vector<128x4xf32>
    %dot_general3A_48 = arith.constant dense<0.000000e+00> : vector<32x4xf32>
    %dot_general3A_49 = tpu.matmul %mul3A_44, %get3A_47, %dot_general3A_48 {dimension_numbers = #tpu.dot_dimension_numbers<[1], [0], [0], [1], [0, 0, 1, 1], [], []>, precision = #tpu.contract_precision<fp32>, transpose_lhs_hint = false} : vector<32x128xf32>, vector<128x4xf32>, vector<32x4xf32> -> vector<32x4xf32>
    %get3A_50 = arith.constant 0 : index
    %get3A_51 = arith.constant 0 : index
    %get3A_52 = vector.load %arg5[%get3A_50, %get3A_51] : memref<1x4xf32, #tpu.memory_space<vmem>>, vector<1x4xf32>
    %add3A_53 = vector.broadcast %get3A_52 : vector<1x4xf32> to vector<32x4xf32>
    %add3A_54 = arith.addf %dot_general3A_49, %add3A_53 : vector<32x4xf32>
    %reduce_max3A = arith.constant dense<0xFF800000> : vector<32xf32>
    %reduce_max3A_55 = vector.multi_reduction <maximumf>, %add3A_54, %reduce_max3A [1] : vector<32x4xf32> to vector<32xf32>
    %broadcast_in_dim3A = vector.shape_cast %reduce_max3A_55 : vector<32xf32> to vector<32x1xf32>
    %sub3A = vector.broadcast %broadcast_in_dim3A : vector<32x1xf32> to vector<32x4xf32>
    %sub3A_56 = arith.subf %add3A_54, %sub3A : vector<32x4xf32>
    %exp3A = math.exp %sub3A_56 : vector<32x4xf32>
    %reduce_sum3A = arith.constant dense<0.000000e+00> : vector<32xf32>
    %reduce_sum3A_57 = vector.multi_reduction <add>, %exp3A, %reduce_sum3A [1] : vector<32x4xf32> to vector<32xf32>
    %broadcast_in_dim3A_58 = vector.shape_cast %reduce_sum3A_57 : vector<32xf32> to vector<32x1xf32>
    %div3A = vector.broadcast %broadcast_in_dim3A_58 : vector<32x1xf32> to vector<32x4xf32>
    %div3A_59 = arith.divf %exp3A, %div3A : vector<32x4xf32>
    %swap3A = arith.constant 0 : index
    %swap3A_60 = arith.constant 0 : index
    %swap3A_61 = vector.load %arg6[%swap3A, %swap3A_60] : memref<32x4xf32, #tpu.memory_space<vmem>>, vector<32x4xf32>
    tpu.vector_store %arg6[%swap3A, %swap3A_60], %div3A_59 {strides = array<i32>} : memref<32x4xf32, #tpu.memory_space<vmem>>, vector<32x4xf32>,
    return
  }
}

module attributes {stable_mosaic.version = 14 : i64} {
  func.func @_tc_pool_body(%arg0: i32, %arg1: memref<1x64x64x256xf32, #tpu.memory_space<vmem>>, %arg2: memref<24x256xf32, #tpu.memory_space<vmem>>, %arg3: memref<24x256xf32, #tpu.memory_space<vmem>>) attributes {dimension_semantics = [#tpu.dimension_semantics<arbitrary>], iteration_bounds = array<i64: 24>, scalar_prefetch = 0 : i64, scratch_operands = 1 : i64, tpu.core_type = #tpu.core_type<tc>, window_params = [{transform_indices = @transform_0, window_bounds = array<i64: 1, 64, 64, 256>}, {pipeline_mode = #tpu.pipeline_mode<synchronous>, transform_indices = @transform_1, window_bounds = array<i64: 24, 256>}]} {
    %get3A = arith.constant 0 : index
    %get3A_0 = arith.constant 0 : index
    %get3A_1 = arith.constant 0 : index
    %get3A_2 = arith.constant 0 : index
    %get3A_3 = vector.load %arg1[%get3A, %get3A_0, %get3A_1, %get3A_2] : memref<1x64x64x256xf32, #tpu.memory_space<vmem>>, vector<1x8x64x256xf32>
    %get3A_4 = arith.constant 0 : index
    %get3A_5 = arith.constant 8 : index
    %get3A_6 = arith.constant 0 : index
    %get3A_7 = arith.constant 0 : index
    %get3A_8 = vector.load %arg1[%get3A_4, %get3A_5, %get3A_6, %get3A_7] : memref<1x64x64x256xf32, #tpu.memory_space<vmem>>, vector<1x8x64x256xf32>
    %add3A = arith.addf %get3A_3, %get3A_8 : vector<1x8x64x256xf32>
    %get3A_9 = arith.constant 0 : index
    %get3A_10 = arith.constant 16 : index
    %get3A_11 = arith.constant 0 : index
    %get3A_12 = arith.constant 0 : index
    %get3A_13 = vector.load %arg1[%get3A_9, %get3A_10, %get3A_11, %get3A_12] : memref<1x64x64x256xf32, #tpu.memory_space<vmem>>, vector<1x8x64x256xf32>
    %add3A_14 = arith.addf %add3A, %get3A_13 : vector<1x8x64x256xf32>
    %get3A_15 = arith.constant 0 : index
    %get3A_16 = arith.constant 24 : index
    %get3A_17 = arith.constant 0 : index
    %get3A_18 = arith.constant 0 : index
    %get3A_19 = vector.load %arg1[%get3A_15, %get3A_16, %get3A_17, %get3A_18] : memref<1x64x64x256xf32, #tpu.memory_space<vmem>>, vector<1x8x64x256xf32>
    %add3A_20 = arith.addf %add3A_14, %get3A_19 : vector<1x8x64x256xf32>
    %get3A_21 = arith.constant 0 : index
    %get3A_22 = arith.constant 32 : index
    %get3A_23 = arith.constant 0 : index
    %get3A_24 = arith.constant 0 : index
    %get3A_25 = vector.load %arg1[%get3A_21, %get3A_22, %get3A_23, %get3A_24] : memref<1x64x64x256xf32, #tpu.memory_space<vmem>>, vector<1x8x64x256xf32>
    %add3A_26 = arith.addf %add3A_20, %get3A_25 : vector<1x8x64x256xf32>
    %get3A_27 = arith.constant 0 : index
    %get3A_28 = arith.constant 40 : index
    %get3A_29 = arith.constant 0 : index
    %get3A_30 = arith.constant 0 : index
    %get3A_31 = vector.load %arg1[%get3A_27, %get3A_28, %get3A_29, %get3A_30] : memref<1x64x64x256xf32, #tpu.memory_space<vmem>>, vector<1x8x64x256xf32>
    %add3A_32 = arith.addf %add3A_26, %get3A_31 : vector<1x8x64x256xf32>
    %get3A_33 = arith.constant 0 : index
    %get3A_34 = arith.constant 48 : index
    %get3A_35 = arith.constant 0 : index
    %get3A_36 = arith.constant 0 : index
    %get3A_37 = vector.load %arg1[%get3A_33, %get3A_34, %get3A_35, %get3A_36] : memref<1x64x64x256xf32, #tpu.memory_space<vmem>>, vector<1x8x64x256xf32>
    %add3A_38 = arith.addf %add3A_32, %get3A_37 : vector<1x8x64x256xf32>
    %get3A_39 = arith.constant 0 : index
    %get3A_40 = arith.constant 56 : index
    %get3A_41 = arith.constant 0 : index
    %get3A_42 = arith.constant 0 : index
    %get3A_43 = vector.load %arg1[%get3A_39, %get3A_40, %get3A_41, %get3A_42] : memref<1x64x64x256xf32, #tpu.memory_space<vmem>>, vector<1x8x64x256xf32>
    %add3A_44 = arith.addf %add3A_38, %get3A_43 : vector<1x8x64x256xf32>
    %reduce_sum3A = arith.constant dense<0.000000e+00> : vector<1x256xf32>
    %reduce_sum3A_45 = vector.multi_reduction <add>, %add3A_44, %reduce_sum3A [1, 2] : vector<1x8x64x256xf32> to vector<1x256xf32>
    %swap3A = arith.index_cast %arg0 : i32 to index
    %swap3A_46 = arith.constant 0 : index
    %swap3A_47 = vector.load %arg3[%swap3A, %swap3A_46] : memref<24x256xf32, #tpu.memory_space<vmem>>, vector<1x256xf32>
    tpu.vector_store %arg3[%swap3A, %swap3A_46], %reduce_sum3A_45 {strides = array<i32>} : memref<24x256xf32, #tpu.memory_space<vmem>>, vector<1x256xf32>,
    %eq3A = arith.constant 23 : i32
    %eq3A_48 = arith.cmpi eq, %arg0, %eq3A : i32
    %convert_element_type3A = arith.extui %eq3A_48 : i1 to i32
    %cond3A = arith.constant 0 : i32
    %cond3A_49 = arith.cmpi ne, %convert_element_type3A, %cond3A : i32
    scf.if %cond3A_49 {
      %get3A_50 = arith.constant 0 : index
      %get3A_51 = arith.constant 0 : index
      %get3A_52 = vector.load %arg3[%get3A_50, %get3A_51] : memref<24x256xf32, #tpu.memory_space<vmem>>, vector<24x256xf32>
      %swap3A_53 = arith.constant 0 : index
      %swap3A_54 = arith.constant 0 : index
      %swap3A_55 = vector.load %arg2[%swap3A_53, %swap3A_54] : memref<24x256xf32, #tpu.memory_space<vmem>>, vector<24x256xf32>
      tpu.vector_store %arg2[%swap3A_53, %swap3A_54], %get3A_52 {strides = array<i32>} : memref<24x256xf32, #tpu.memory_space<vmem>>, vector<24x256xf32>,
    } else {
    }
    return
  }
  func.func @transform_0(%arg0: i32) -> (i32, i32, i32, i32) {
    %c0_i32 = arith.constant 0 : i32
    %c0_i32_0 = arith.constant 0 : i32
    %c0_i32_1 = arith.constant 0 : i32
    %c0_i32_2 = arith.constant 0 : i32
    return %arg0, %c0_i32, %c0_i32_0, %c0_i32_1 : i32, i32, i32, i32
  }
  func.func @transform_1(%arg0: i32) -> (i32, i32) {
    %c0_i32 = arith.constant 0 : i32
    %c0_i32_0 = arith.constant 0 : i32
    %c0_i32_1 = arith.constant 0 : i32
    return %c0_i32, %c0_i32_0 : i32, i32
  }
}

</mosaic_0001>

<sc_bundles>
// kernel: kernel.5.cloned.1.call-start
scs
__scs_entry_jumppad:
0x0: {  	(pc) =	sbr.rel $0x88, $3  }
0x1: {  	(tag) =	ssettag $0x0;
	lr =	simm.s32 $0x1  }
0x2: {  	[smem:$0x3F9C] =	sst lr;
	_ =	strace $0xD0000000  }
0x3: {  	_ = 	snop  }
0x4: {  	_ = 	snop  }
0x5: {  	_ = 	snop  }
0x6: {  	_ = 	snop  }
0x7: {  	_ = 	snop  }
__scs_overlays_trampoline_lowered:
0x8: {  	[smem:$0x3FAB] =	sst s0  }
0x9: {  	[smem:$0x3FAC] =	sst s1  }
0xa: {  	[smem:$0x3FAD] =	sst s2  }
0xb: {  	[smem:$0x3FAE] =	sst s3  }
0xc: {  	[smem:$0x3FAF] =	sst s4  }
0xd: {  	[smem:$0x3FB0] =	sst s5  }
0xe: {  	[smem:$0x3FB1] =	sst s6  }
0xf: {  	[smem:$0x3FB2] =	sst s7  }
0x10: {  	[smem:$0x3FB3] =	sst s8  }
0x11: {  	[smem:$0x3FB4] =	sst s9;
	s0 =	simm.s32 @!p0 $0x0  }
0x12: {  	s1 =	sld [smem:$0x3F9A];
	s0 =	simm.s32 @p0 $0x1  }
0x13: {  	[smem:$0x3FB5] =	sst s0;
	s0 =	simm.s32 @!p1 $0x0  }
0x14: {  	s2 =	sld [smem:$0x3F99];
	s0 =	simm.s32 @p1 $0x1  }
0x15: {  	[smem:$0x3FB6] =	sst s0;
	s0 =	simm.s32 @!p2 $0x0  }
0x16: {  	s3 =	sld [smem:$0x3FDB];
	s0 =	simm.s32 @p2 $0x1  }
0x17: {  	s4 =	simm.s32 $0x1BF5;
	[smem:$0x3FB8] =	sst s0  }
0x18: {  	s0 =	sld [smem:$0x3F9B];
	_ =	swait.ge [sflag:s4], $0x0  }
0x19: {  	s7 =	sld [smem:$0x3F9C]  }
0x1a: {  	s8 =	sadd.s32 $0xFFFFE003, lr  }
0x1b: {  	s9 =	sadd.s32 $0xFFFFFEF7, lr;
	s5 =	simm.s32 $0xFFFFFFFF;
	p2 =	slt.u32 s8, $0xFFFFF086  }
0x1c: {  	p1 =	slt.u32 s9, $0xF7A;
	s5 =	simm.s32 @!p2 $0x0  }
0x1d: {  	s5 =	simm.s32 @p1 $0x1;
	p0 =	seq.s32 s7, s2  }
0x1e: {  	s7 =	smul.u32 @!p0 $0xF7A, s2;
	p2 =	seq.s32 @!p0 s5, $0x0  }
0x1f: {  	s9 =	smul.u32 $0xF7A, s1;
	s8 =	simm.s32 @!p0 $0x1BF5;
	p2 =	por !p2, p0  }
0x20: {  	[sflag:s8] =	ssyncset.s32 @!p0 $0xFFFFF086;
	s6 =	sadd.s32 @!p0 s3, s7;
	s7 =	simm.s32 @!p0 $0x108  }
0x21: {  	s3 =	sadd.s32 s3, s9;
	s6 =	sadd.s32 @!p0 $0x88, s6;
	s7 =	simm.s32 @p2 $0x1082  }
0x22: {  	[simem:s7], [sflag:s8] =	dma.local @!p0 [hbm:s6], $0xF7A  }
0x23: {  	s9 =	sor.u32 $0xD0000000, s2;
	s6 =	simm.s32 $0x108;
	_ =	swait.ge @!p0 [sflag:s8], $0x0  }
0x24: {  	s3 =	sadd.s32 $0x88, s3;
	s6 =	simm.s32 @!p1 $0x1082;
	[sflag:s4] =	ssyncset.s32 $0xFFFFF086  }
0x25: {  	[simem:s6], [sflag:s4] =	dma.local [hbm:s3], $0xF7A  }
0x26: {  	[smem:$0x3F9C] =	sst s1;
	(tag) =	ssettag s2;
	_ =	strace s9  }
0x27: {  	s1 =	sld [smem:$0x3FAC]  }
0x28: {  	s2 =	sld [smem:$0x3FAD]  }
0x29: {  	s4 =	sld [smem:$0x3FAF]  }
0x2a: {  	p0 =	seq.s32 s5, $0x0;
	s5 =	sld [smem:$0x3FB0]  }
0x2b: {  	s6 =	sld [smem:$0x3FB1]  }
0x2c: {  	s7 =	sld [smem:$0x3FB2]  }
0x2d: {  	s3 =	simm.s32 $0x108;
	s8 =	sld [smem:$0x3FB3]  }
0x2e: {  	s3 =	simm.s32 @!p0 $0x1082;
	s9 =	sld [smem:$0x3FB4]  }
0x2f: {  	lr =	sadd.s32 s0, s3;
	s0 =	sld [smem:$0x3FAB]  }
0x30: {  	s3 =	sld [smem:$0x3FAE]  }
0x31: {  	[smem:$0x3FB7] =	sst s10  }
0x32: {  	s10 =	sld [smem:$0x3FB5];
	_ =	sdelay $0x3  }
0x33: {  	p0 =	seq.s32 s10, $0x1;
	s10 =	sld [smem:$0x3FB7];
	_ =	sdelay $0x3  }
0x34: {  	[smem:$0x3FB7] =	sst s10  }
0x35: {  	s10 =	sld [smem:$0x3FB6];
	_ =	sdelay $0x3  }
0x36: {  	p1 =	seq.s32 s10, $0x1;
	s10 =	sld [smem:$0x3FB7];
	_ =	sdelay $0x3  }
0x37: {  	[smem:$0x3FB7] =	sst s10  }
0x38: {  	s10 =	sld [smem:$0x3FB8]  }
0x39: {  	_ = 	snop;
	(pc) =	sbr.ind lr, $3  }
0x3a: {  	_ = 	snop  }
0x3b: {  	_ = 	snop  }
0x3c: {  	p2 =	seq.s32 s10, $0x1;
	s10 =	sld [smem:$0x3FB7]  }
0x3d: {  	_ =	shalt  }
0x3e: {  	_ =	shalt  }
0x3f: {  	_ =	shalt  }
0x40: {  	_ =	shalt  }
0x41: {  	_ =	shalt  }
0x42: {  	_ =	shalt  }
0x43: {  	_ =	shalt  }
0x44: {  	_ =	shalt  }
0x45: {  	_ =	shalt  }
0x46: {  	_ =	shalt  }
0x47: {  	_ =	shalt  }
0x48: {  	_ =	shalt  }
0x49: {  	_ =	shalt  }
0x4a: {  	_ =	shalt  }
0x4b: {  	_ =	shalt  }
0x4c: {  	_ =	shalt  }
0x4d: {  	_ =	shalt  }
0x4e: {  	_ =	shalt  }
0x4f: {  	_ =	shalt  }
0x50: {  	_ =	shalt  }
0x51: {  	_ =	shalt  }
0x52: {  	_ =	shalt  }
0x53: {  	_ =	shalt  }
0x54: {  	_ =	shalt  }
0x55: {  	_ =	shalt  }
0x56: {  	_ =	shalt  }
0x57: {  	_ =	shalt  }
0x58: {  	_ =	shalt  }
0x59: {  	_ =	shalt  }
0x5a: {  	_ =	shalt  }
0x5b: {  	_ =	shalt  }
0x5c: {  	_ =	shalt  }
0x5d: {  	_ =	shalt  }
0x5e: {  	_ =	shalt  }
0x5f: {  	_ =	shalt  }
0x60: {  	_ =	shalt  }
0x61: {  	_ =	shalt  }
0x62: {  	_ =	shalt  }
0x63: {  	_ =	shalt  }
0x64: {  	_ =	shalt  }
0x65: {  	_ =	shalt  }
0x66: {  	_ =	shalt  }
0x67: {  	_ =	shalt  }
0x68: {  	_ =	shalt  }
0x69: {  	_ =	shalt  }
0x6a: {  	_ =	shalt  }
0x6b: {  	_ =	shalt  }
0x6c: {  	_ =	shalt  }
0x6d: {  	_ =	shalt  }
0x6e: {  	_ =	shalt  }
0x6f: {  	_ =	shalt  }
0x70: {  	_ =	shalt  }
0x71: {  	_ =	shalt  }
0x72: {  	_ =	shalt  }
0x73: {  	_ =	shalt  }
0x74: {  	_ =	shalt  }
0x75: {  	_ =	shalt  }
0x76: {  	_ =	shalt  }
0x77: {  	_ =	shalt  }
0x78: {  	_ =	shalt  }
0x79: {  	_ =	shalt  }
0x7a: {  	_ =	shalt  }
0x7b: {  	_ =	shalt  }
0x7c: {  	_ =	shalt  }
0x7d: {  	_ =	shalt  }
0x7e: {  	_ =	shalt  }
0x7f: {  	_ =	shalt  }
0x80: {  	_ =	shalt  }
0x81: {  	_ =	shalt  }
0x82: {  	_ =	shalt  }
0x83: {  	_ =	shalt  }
0x84: {  	_ =	shalt  }
0x85: {  	_ =	shalt  }
0x86: {  	_ =	shalt  }
0x87: {  	_ =	shalt  }
.Lfunc_end0:
.L_simem_size_0:
called_computation_lowered:
.L_overlay_start_0:
0x88: {  	s2 =	sld [smem:$0x3FD9]  }
0x89: {  	s3 =	sld [smem:$0x3FFE];
	_ =	sdelay $0x1  }
0x8a: {  	s1 =	srdreg.scid  }
0x8b: {  	s0 =	sand.u32 $0x1, s1  }
0x8c: {  	s17 =	sshll.u32 s0, $0xA;
	s2 =	sadd.s32 s3, s2  }
0x8d: {  	s2 =	sadd.s32 s2, s17  }
0x8e: {  	[smem:$0x3FC3] =	sst s2  }
0x8f: {  	_ = 	snop  }
0x90: {  	s2 =	sld [smem:$0x3FC9];
	(tm) =	ssettm $0x1  }
0x91: {  	s18 =	sld [smem:$0x3FFB];
	_ =	sdelay $0x3  }
0x92: {  	_ =	strace s18  }
0x93: {  	s3 =	sld [smem:$0x3FFC];
	_ =	sdelay $0x3  }
0x94: {  	_ =	strace s3  }
0x95: {  	s3 =	sld [smem:$0x3FFD];
	_ =	sdelay $0x3  }
0x96: {  	_ =	strace s3  }
0x97: {  	_ =	strace $0x8FFFFFFF  }
0x98: {  	s19 =	sld [smem:$0x3FDB];
	_ =	sdelay $0x1  }
0x99: {  	s4 =	simm.s32 $_scs_section_size  }
0x9a: {  	s5 =	simm.s32 $_size__tile_overlayer_lowered;
	s6 =	simm.s32 $_tile_overlayer_lowered  }
0x9b: {  	s22 =	simm.s32 $0x1BFF;
	s21 =	sshll.u32 s6, $0x1;
	s3 =	sadd.s32 s4, s19  }
0x9c: {  	s7 =	simm.s32 $0x0;
	s20 =	sshll.u32 s5, $0x1;
	s5 =	sadd.s32 s21, s3  }
0x9d: {  	[timem:s7], [sflag:s22] =	dma.local [hbm:s5], s20  }
0x9e: {  	_ =	swait.ge [sflag:s22], s20  }
0x9f: {  	s4 =	ssub.s32 $0x0, s20;
	[sflag:s22] =	ssyncset.done $0x0  }
0xa0: {  	[sflag:s22] =	ssyncadd.s32 s4;
	_ =	sdelay $0x1  }
0xa1: {  	s23 =	simm.s32 $0x1B8B  }
0xa2: {  	_ =	swait.ge [sflag:s23], $0x1  }
0xa3: {  	[sflag:s23] =	ssyncset.done $0x0  }
0xa4: {  	s25 =	simm.s32 $0x1B8E;
	s24 =	sld [smem:$0x3FFE];
	[sflag:s23] =	ssyncadd.s32 $0xFFFFFFFF  }
0xa5: {  	s26 =	simm.s32 $execute0_lowered;
	[smem:$0x3FD2] =	sst s25  }
0xa6: {  	s5 =	sshll.u32 s26, $0x1;
	_ =	strace $0x80000046;
	[dreg:$0x1] =	wrdreg $0xFFFFFFFF  }
0xa7: {  	s28 =	simm.s32 $_size_execute0_lowered;
	s3 =	sadd.s32 s3, s5;
	[dreg:$0x0] =	wrdreg $0x0  }
0xa8: {  	s5 =	sshll.u32 s28, $0x1;
	[dreg:$0x2] =	wrdreg s3  }
0xa9: {  	[dreg:$0x3] =	wrdreg s5  }
0xaa: {  	[dreg:$0x4] =	wrdreg $0xC0  }
0xab: {  	_ =	task [dreg:s7], $0x5FFFF  }
0xac: {  	[dreg:$0x1] =	wrdreg $0xFFFFFFFF  }
0xad: {  	[dreg:$0x0] =	wrdreg $0x60  }
0xae: {  	[dreg:$0x2] =	wrdreg s2  }
0xaf: {  	[dreg:$0x3] =	wrdreg s24  }
0xb0: {  	[dreg:$0x4] =	wrdreg $0x9  }
0xb1: {  	_ =	task.clear_ibuf [dreg:s7], $0x5FFFF;
	_ =	strace $0x90000046  }
0xb2: {  	s29 =	simm.s32 $0x9;
	_ =	strace $0x80000048  }
0xb3: {  	_ =	swait.ge [sflag:s29], $0x1  }
0xb4: {  	[sflag:s29] =	ssyncadd.s32 $0xFFFFFFFF  }
0xb5: {  	_ =	strace $0x90000048  }
0xb6: {  	_ =	sfence  }
0xb7: {  	s30 =	sld [smem:$0x0];
	_ =	sdelay $0x2  }
0xb8: {  	s31 =	sshll.u32 s1, $0xD;
	s1 =	sshrl.u32 s1, $0x2  }
0xb9: {  	s3 =	sand.u32 $0x4000, s31;
	s1 =	sadd.s32 s1, s30  }
0xba: {  	s0 =	sor.u32 s3, s0;
	s1 =	sshll.u32 s1, $0x11  }
0xbb: {  	s0 =	sor.u32 s1, s0  }
0xbc: {  	s0 =	sadd.s32 $0x8F2B, s0  }
0xbd: {  	[sflag:s0] =	ssyncadd.remote.s32 $0x1  }
0xbe: {  	_ =	sfence.sel $0xFFFF  }
0xbf: {  	[dreg:$0x0] =	wrdreg $0xFFFFFFFF;
	(pc) =	sbr.abs _section_cstart, $3  }
0xc0: {  	[dreg:$0x1] =	wrdreg $0xFFFFFFFF  }
0xc1: {  	_ =	task.clear_ibuf [dreg:s7], $0x2FFFF;
	_ =	strace $0x9FFFFFFF  }
0xc2: {  	(tm) =	ssettm $0x7FFFFFFF  }
0xc3: {  	_ =	shalt  }
tec
execute0_lowered:
.L_overlay_start_1:
0x0: {  	(tag) =	ssettag $0x1  }
0x1: {  	s3 =	rddreg [dreg:$0x0]  }
0x2: {  	s4 =	rddreg [dreg:$0x1];
	s1 =	stileid.u32  }
0x3: {  	s0 =	rddreg [dreg:$0x2];
	s5 =	srdreg.scid;
	s2 =	simm.s32 $0x0  }
0x4: {  	s13 =	simm.s32 $0x1;
	s14 =	simm.s32 $0x8000;
	s15 =	simm.s32 $0x2  }
0x5: {  	s16 =	simm.s32 $0x80;
	s17 =	simm.s32 $0x400;
	s18 =	simm.s32 $0x10000  }
0x6: {  	s19 =	simm.s32 $0x3;
	s20 =	simm.s32 $0x0;
	s6 =	sshll.u32 s1, $0x1  }
0x7: {  	s5 =	sand.u32 $0x1, s5;
	[smem:$0x7FF] =	sst s2;
	s7 =	sshrl.u32 s1, $0x2  }
0x8: {  	s6 =	sand.u32 $0x6, s6;
	_ =	strace $0x80000047;
	s29 =	sshll.u32 s7, $0xF  }
0x9: {  	s7 =	sshll.u32 s7, $0x8;
	s8 =	sor.u32 s5, s6;
	s5 =	ssub.s32 $0x2, s5  }
0xa: {  	s30 =	sadd.s32 s7, s4;
	s9 =	sshll.u32 s8, $0x11;
	s11 =	sshll.u32 s8, $0x4  }
0xb: {  	s31 =	sshrl.u32 s5, $0x1;
	s6 =	sor.u32 s29, s9;
	s11 =	sadd.s32 s11, s30  }
0xc: {  	s12 =	ssub.s32 s5, s31;
	s10 =	sadd.s32 s6, s3;
	s11 =	sadd.s32 $0xE00, s11  }
0xd: {  	s12 =	smax.u32 s12, $0x1;
	s3 =	sadd.s32 $0x300000, s10;
	s4 =	sadd.s32 $0x301000, s10  }
0xe: {  	s5 =	sadd.s32 $0x302000, s10;
	s6 =	sadd.s32 $0x303000, s10;
	s7 =	sadd.s32 $0x304000, s10  }
0xf: {  	s8 =	sadd.s32 $0x305000, s10;
	s9 =	sadd.s32 $0x306000, s10;
	s10 =	sadd.s32 $0x307000, s10  }
.LBB2_1:
0x10: {  	[tilespmem:s2], [sflag:$0x1] =	stream.linear.gather [hbm4b:s3+s2], $0x8000, $0x38;
	[tilespmem:$0x10100] =	vst v63  }
0x11: {  	_ =	swait.ge [sflag:s13], $0x8000  }
0x12: {  	s21 =	sand.u32 $0x7800, s2;
	s22 =	sand.u32 $0x380, s2;
	[sflag:s13] =	ssyncset.done $0x0  }
0x13: {  	s21 =	sor.u32 s22, s21;
	[sflag:s13] =	ssyncadd.s32 $0xFFFF8000  }
0x14: {  	[tilespmem:s14], [sflag:$0x2] =	stream.linear.gather [hbm4b:s4+s2], $0x8000, $0x38;
	[tilespmem:$0x10100] =	vst v63  }
0x15: {  	v0 =	vld [tilespmem:s21+$0x470]  }
0x16: {  	v1 =	vld [tilespmem:s21+$0x0]  }
0x17: {  	v3 =	vld [tilespmem:s21+$0x10]  }
0x18: {  	v4 =	vld [tilespmem:s21+$0x20]  }
0x19: {  	v5 =	vld [tilespmem:s21+$0x30]  }
0x1a: {  	v6 =	vld [tilespmem:s21+$0x40]  }
0x1b: {  	v7 =	vld [tilespmem:s21+$0x50]  }
0x1c: {  	v9 =	vld [tilespmem:s21+$0x60]  }
0x1d: {  	v10 =	vimm.f32 $0.0e+00;
	v11 =	vld [tilespmem:s21+$0x70]  }
0x1e: {  	v12 =	vld [tilespmem:s21+$0x400];
	v2 =	vadd.f32 v0, v10  }
0x1f: {  	v16 =	vld [tilespmem:s21+$0x410];
	v8 =	vadd.f32 v1, v10;
	v3 =	vadd.f32 v3, v10  }
0x20: {  	v15 =	vimm.f32 $0.0e+00;
	v17 =	vld [tilespmem:s21+$0x420];
	v4 =	vadd.f32 v4, v10;
	v0 =	vadd.f32 v5, v10  }
0x21: {  	v13 =	vimm.f32 $0.0e+00;
	v18 =	vld [tilespmem:s21+$0x430];
	v5 =	vadd.f32 v6, v10;
	v1 =	vadd.f32 v7, v10  }
0x22: {  	s23 =	simm.s32 $0x80;
	v14 =	vimm.f32 $0.0e+00;
	s22 =	simm.s32 $0x100;
	v19 =	vld [tilespmem:s21+$0x440];
	v6 =	vadd.f32 v9, v10;
	v7 =	vadd.f32 v11, v10  }
0x23: {  	s25 =	sand.u32 $0x380, s23;
	s23 =	simm.s32 $0x100;
	s24 =	sand.u32 $0x7800, s22;
	v20 =	vld [tilespmem:s21+$0x450];
	v9 =	vadd.f32 v12, v10;
	v12 =	vimm.f32 $0.0e+00;
	v11 =	vimm.f32 $0.0e+00  }
.LBB2_2:
0x24: {  	p0 =	sne.s32 s23, $0x3F80;
	v10 =	vadd.f32 v16, v10;
	v16 =	vld [tilespmem:s21+$0x460];
	s21 =	sor.u32 s25, s24  }
0x25: {  	v21 =	vld [tilespmem:s21+$0x470];
	v12 =	vadd.f32 v17, v12  }
0x26: {  	v17 =	vld [tilespmem:s21+$0x0];
	v11 =	vadd.f32 v18, v11  }
0x27: {  	v18 =	vld [tilespmem:s21+$0x10];
	v15 =	vadd.f32 v19, v15  }
0x28: {  	v19 =	vld [tilespmem:s21+$0x20];
	v13 =	vadd.f32 v20, v13  }
0x29: {  	v20 =	vld [tilespmem:s21+$0x30];
	v14 =	vadd.f32 v16, v14  }
0x2a: {  	v16 =	vld [tilespmem:s21+$0x40];
	v2 =	vadd.f32 v21, v2  }
0x2b: {  	v8 =	vadd.f32 v17, v8;
	v17 =	vld [tilespmem:s21+$0x50]  }
0x2c: {  	v3 =	vadd.f32 v18, v3;
	v18 =	vld [tilespmem:s21+$0x60]  }
0x2d: {  	v4 =	vadd.f32 v19, v4;
	v19 =	vld [tilespmem:s21+$0x70]  }
0x2e: {  	v0 =	vadd.f32 v20, v0;
	v20 =	vld [tilespmem:s21+$0x400]  }
.Ltmp0:
0x2f: {  	v5 =	vadd.f32 v16, v5;
	v16 =	vld [tilespmem:s21+$0x410];
	(pc) =	sbr.rel @p0 .LBB2_2-.Ltmp0, $4  }
0x30: {  	v1 =	vadd.f32 v17, v1;
	v17 =	vld [tilespmem:s21+$0x420]  }
0x31: {  	v6 =	vadd.f32 v18, v6;
	v18 =	vld [tilespmem:s21+$0x430]  }
0x32: {  	s22 =	sadd.s32 $0x100, s22;
	v7 =	vadd.f32 v19, v7;
	v19 =	vld [tilespmem:s21+$0x440]  }
0x33: {  	s25 =	sand.u32 $0x380, s23;
	s23 =	sadd.s32 $0x80, s23;
	s24 =	sand.u32 $0x7800, s22;
	v9 =	vadd.f32 v20, v9;
	v20 =	vld [tilespmem:s21+$0x450]  }
0x34: {  	s22 =	sor.u32 s25, s24;
	v21 =	vld [tilespmem:s21+$0x460]  }
0x35: {  	v22 =	vld [tilespmem:s22+$0x470]  }
0x36: {  	v23 =	vld [tilespmem:s22+$0x0]  }
0x37: {  	v24 =	vld [tilespmem:s22+$0x10]  }
0x38: {  	v25 =	vld [tilespmem:s22+$0x20]  }
0x39: {  	v26 =	vld [tilespmem:s22+$0x30]  }
0x3a: {  	v27 =	vld [tilespmem:s22+$0x40]  }
0x3b: {  	v28 =	vld [tilespmem:s22+$0x50]  }
0x3c: {  	v29 =	vld [tilespmem:s22+$0x60]  }
0x3d: {  	v30 =	vld [tilespmem:s22+$0x70]  }
0x3e: {  	v31 =	vld [tilespmem:s22+$0x400]  }
0x3f: {  	v32 =	vld [tilespmem:s22+$0x410]  }
0x40: {  	v33 =	vld [tilespmem:s22+$0x420]  }
0x41: {  	v34 =	vld [tilespmem:s22+$0x430]  }
0x42: {  	v35 =	vld [tilespmem:s22+$0x440]  }
0x43: {  	v36 =	vld [tilespmem:s22+$0x450]  }
0x44: {  	s30 =	simm.s32 $0x0;
	v37 =	vld [tilespmem:s22+$0x460];
	_ =	swait.ge [sflag:s15], $0x8000  }
0x45: {  	s31 =	sand.u32 $0x7800, s30;
	s21 =	sand.u32 $0x380, s30;
	[sflag:s15] =	ssyncset.done $0x0  }
0x46: {  	s21 =	sor.u32 s21, s31;
	[sflag:s15] =	ssyncadd.s32 $0xFFFF8000  }
0x47: {  	v10 =	vadd.f32 v16, v10;
	v12 =	vadd.f32 v17, v12;
	[tilespmem:s30], [sflag:$0x1] =	stream.linear.gather [hbm4b:s5+s30], $0x8000, $0x38;
	[tilespmem:$0x10100] =	vst v63  }
0x48: {  	v11 =	vadd.f32 v18, v11;
	v15 =	vadd.f32 v19, v15;
	v16 =	vld [tilespmem:s21+$0x8470]  }
0x49: {  	v13 =	vadd.f32 v20, v13;
	v14 =	vadd.f32 v21, v14;
	v17 =	vld [tilespmem:s21+$0x8000]  }
0x4a: {  	v19 =	vld [tilespmem:s21+$0x8010];
	v18 =	vadd.f32 v22, v2;
	v8 =	vadd.f32 v23, v8  }
0x4b: {  	v55 =	vld [tilespmem:s21+$0x8030];
	v20 =	vadd.f32 v24, v3;
	v21 =	vadd.f32 v25, v4  }
0x4c: {  	v58 =	vld [tilespmem:s21+$0x8040];
	v23 =	vadd.f32 v26, v0;
	v54 =	vadd.f32 v27, v5  }
0x4d: {  	v61 =	vld [tilespmem:s21+$0x8050];
	v56 =	vadd.f32 v28, v1;
	v57 =	vadd.f32 v29, v6  }
0x4e: {  	v62 =	vld [tilespmem:s21+$0x8060];
	v59 =	vadd.f32 v30, v7;
	v60 =	vadd.f32 v31, v9  }
0x4f: {  	v63 =	vld [tilespmem:s21+$0x8400];
	v0 =	vadd.f32 v32, v10;
	v1 =	vadd.f32 v33, v12  }
0x50: {  	v22 =	vld [tilespmem:s21+$0x8020];
	v2 =	vadd.f32 v34, v11;
	v3 =	vadd.f32 v35, v15  }
0x51: {  	v15 =	vld [tilespmem:s21+$0x8070];
	v4 =	vadd.f32 v36, v13;
	v5 =	vadd.f32 v37, v14  }
0x52: {  	v6 =	vadd.f32 v16, v18;
	v7 =	vadd.f32 v17, v8;
	v16 =	vld [tilespmem:s21+$0x8410]  }
0x53: {  	v8 =	vadd.f32 v19, v20;
	v17 =	vld [tilespmem:s21+$0x8420];
	v10 =	vadd.f32 v55, v23  }
0x54: {  	v11 =	vadd.f32 v58, v54;
	v18 =	vld [tilespmem:s21+$0x8430];
	v12 =	vadd.f32 v61, v56  }
0x55: {  	s23 =	simm.s32 $0x80;
	s22 =	simm.s32 $0x100;
	v13 =	vadd.f32 v62, v57;
	v19 =	vld [tilespmem:s21+$0x8440];
	v9 =	vadd.f32 v22, v21  }
0x56: {  	s25 =	sand.u32 $0x380, s23;
	s23 =	simm.s32 $0x100;
	s24 =	sand.u32 $0x7800, s22;
	v20 =	vld [tilespmem:s21+$0x8450];
	v14 =	vadd.f32 v15, v59;
	v15 =	vadd.f32 v63, v60  }
.LBB2_4:
0x57: {  	p0 =	sne.s32 s23, $0x3F80;
	v0 =	vadd.f32 v16, v0;
	v16 =	vld [tilespmem:s21+$0x8460];
	s21 =	sor.u32 s25, s24  }
0x58: {  	v21 =	vld [tilespmem:s21+$0x8470];
	v1 =	vadd.f32 v17, v1  }
0x59: {  	v17 =	vld [tilespmem:s21+$0x8000];
	v2 =	vadd.f32 v18, v2  }
0x5a: {  	v18 =	vld [tilespmem:s21+$0x8010];
	v3 =	vadd.f32 v19, v3  }
0x5b: {  	v19 =	vld [tilespmem:s21+$0x8020];
	v4 =	vadd.f32 v20, v4  }
0x5c: {  	v20 =	vld [tilespmem:s21+$0x8030];
	v5 =	vadd.f32 v16, v5  }
0x5d: {  	v16 =	vld [tilespmem:s21+$0x8040];
	v6 =	vadd.f32 v21, v6  }
0x5e: {  	v7 =	vadd.f32 v17, v7;
	v17 =	vld [tilespmem:s21+$0x8050]  }
0x5f: {  	v8 =	vadd.f32 v18, v8;
	v18 =	vld [tilespmem:s21+$0x8060]  }
0x60: {  	v9 =	vadd.f32 v19, v9;
	v19 =	vld [tilespmem:s21+$0x8070]  }
0x61: {  	v10 =	vadd.f32 v20, v10;
	v20 =	vld [tilespmem:s21+$0x8400]  }
.Ltmp1:
0x62: {  	v11 =	vadd.f32 v16, v11;
	v16 =	vld [tilespmem:s21+$0x8410];
	(pc) =	sbr.rel @p0 .LBB2_4-.Ltmp1, $4  }
0x63: {  	v12 =	vadd.f32 v17, v12;
	v17 =	vld [tilespmem:s21+$0x8420]  }
0x64: {  	v13 =	vadd.f32 v18, v13;
	v18 =	vld [tilespmem:s21+$0x8430]  }
0x65: {  	s22 =	sadd.s32 $0x100, s22;
	v14 =	vadd.f32 v19, v14;
	v19 =	vld [tilespmem:s21+$0x8440]  }
0x66: {  	s25 =	sand.u32 $0x380, s23;
	s23 =	sadd.s32 $0x80, s23;
	s24 =	sand.u32 $0x7800, s22;
	v15 =	vadd.f32 v20, v15;
	v20 =	vld [tilespmem:s21+$0x8450]  }
0x67: {  	s22 =	sor.u32 s25, s24;
	v21 =	vld [tilespmem:s21+$0x8460]  }
0x68: {  	v22 =	vld [tilespmem:s22+$0x8470]  }
0x69: {  	v23 =	vld [tilespmem:s22+$0x8000]  }
0x6a: {  	v24 =	vld [tilespmem:s22+$0x8010]  }
0x6b: {  	v25 =	vld [tilespmem:s22+$0x8020]  }
0x6c: {  	v26 =	vld [tilespmem:s22+$0x8030]  }
0x6d: {  	v27 =	vld [tilespmem:s22+$0x8040]  }
0x6e: {  	v28 =	vld [tilespmem:s22+$0x8050]  }
0x6f: {  	v29 =	vld [tilespmem:s22+$0x8060]  }
0x70: {  	v30 =	vld [tilespmem:s22+$0x8070]  }
0x71: {  	v31 =	vld [tilespmem:s22+$0x8400]  }
0x72: {  	v32 =	vld [tilespmem:s22+$0x8410]  }
0x73: {  	v33 =	vld [tilespmem:s22+$0x8420]  }
0x74: {  	v34 =	vld [tilespmem:s22+$0x8430]  }
0x75: {  	v35 =	vld [tilespmem:s22+$0x8440]  }
0x76: {  	v36 =	vld [tilespmem:s22+$0x8450]  }
0x77: {  	s30 =	simm.s32 $0x0;
	v37 =	vld [tilespmem:s22+$0x8460];
	_ =	swait.ge [sflag:s13], $0x8000  }
0x78: {  	s31 =	sand.u32 $0x7800, s30;
	s21 =	sand.u32 $0x380, s30;
	[sflag:s13] =	ssyncset.done $0x0  }
0x79: {  	s21 =	sor.u32 s21, s31;
	[sflag:s13] =	ssyncadd.s32 $0xFFFF8000  }
0x7a: {  	v0 =	vadd.f32 v16, v0;
	v1 =	vadd.f32 v17, v1;
	[tilespmem:s14], [sflag:$0x2] =	stream.linear.gather [hbm4b:s6+s30], $0x8000, $0x38;
	[tilespmem:$0x10100] =	vst v63  }
0x7b: {  	v2 =	vadd.f32 v18, v2;
	v3 =	vadd.f32 v19, v3;
	v16 =	vld [tilespmem:s21+$0x470]  }
0x7c: {  	v4 =	vadd.f32 v20, v4;
	v5 =	vadd.f32 v21, v5;
	v17 =	vld [tilespmem:s21+$0x0]  }
0x7d: {  	v18 =	vld [tilespmem:s21+$0x10];
	v6 =	vadd.f32 v22, v6;
	v7 =	vadd.f32 v23, v7  }
0x7e: {  	v19 =	vld [tilespmem:s21+$0x20];
	v8 =	vadd.f32 v24, v8;
	v9 =	vadd.f32 v25, v9  }
0x7f: {  	v20 =	vld [tilespmem:s21+$0x30];
	v10 =	vadd.f32 v26, v10;
	v11 =	vadd.f32 v27, v11  }
0x80: {  	v21 =	vld [tilespmem:s21+$0x40];
	v12 =	vadd.f32 v28, v12;
	v13 =	vadd.f32 v29, v13  }
0x81: {  	v62 =	vld [tilespmem:s21+$0x70];
	v14 =	vadd.f32 v30, v14;
	v15 =	vadd.f32 v31, v15  }
0x82: {  	v63 =	vld [tilespmem:s21+$0x400];
	v0 =	vadd.f32 v32, v0;
	v1 =	vadd.f32 v33, v1  }
0x83: {  	v22 =	vld [tilespmem:s21+$0x50];
	v2 =	vadd.f32 v34, v2;
	v3 =	vadd.f32 v35, v3  }
0x84: {  	v23 =	vld [tilespmem:s21+$0x60];
	v4 =	vadd.f32 v36, v4;
	v5 =	vadd.f32 v37, v5  }
0x85: {  	v6 =	vadd.f32 v16, v6;
	v7 =	vadd.f32 v17, v7;
	v16 =	vld [tilespmem:s21+$0x410]  }
0x86: {  	v8 =	vadd.f32 v18, v8;
	v9 =	vadd.f32 v19, v9;
	v17 =	vld [tilespmem:s21+$0x420]  }
0x87: {  	v10 =	vadd.f32 v20, v10;
	v11 =	vadd.f32 v21, v11;
	v18 =	vld [tilespmem:s21+$0x430]  }
0x88: {  	s23 =	simm.s32 $0x80;
	s22 =	simm.s32 $0x100;
	v19 =	vld [tilespmem:s21+$0x440];
	v14 =	vadd.f32 v62, v14;
	v15 =	vadd.f32 v63, v15  }
0x89: {  	s25 =	sand.u32 $0x380, s23;
	s23 =	simm.s32 $0x100;
	s24 =	sand.u32 $0x7800, s22;
	v20 =	vld [tilespmem:s21+$0x450];
	v12 =	vadd.f32 v22, v12;
	v13 =	vadd.f32 v23, v13  }
.LBB2_6:
0x8a: {  	p0 =	sne.s32 s23, $0x3F80;
	v0 =	vadd.f32 v16, v0;
	v16 =	vld [tilespmem:s21+$0x460];
	s21 =	sor.u32 s25, s24  }
0x8b: {  	v21 =	vld [tilespmem:s21+$0x470];
	v1 =	vadd.f32 v17, v1  }
0x8c: {  	v17 =	vld [tilespmem:s21+$0x0];
	v2 =	vadd.f32 v18, v2  }
0x8d: {  	v18 =	vld [tilespmem:s21+$0x10];
	v3 =	vadd.f32 v19, v3  }
0x8e: {  	v19 =	vld [tilespmem:s21+$0x20];
	v4 =	vadd.f32 v20, v4  }
0x8f: {  	v20 =	vld [tilespmem:s21+$0x30];
	v5 =	vadd.f32 v16, v5  }
0x90: {  	v16 =	vld [tilespmem:s21+$0x40];
	v6 =	vadd.f32 v21, v6  }
0x91: {  	v7 =	vadd.f32 v17, v7;
	v17 =	vld [tilespmem:s21+$0x50]  }
0x92: {  	v8 =	vadd.f32 v18, v8;
	v18 =	vld [tilespmem:s21+$0x60]  }
0x93: {  	v9 =	vadd.f32 v19, v9;
	v19 =	vld [tilespmem:s21+$0x70]  }
0x94: {  	v10 =	vadd.f32 v20, v10;
	v20 =	vld [tilespmem:s21+$0x400]  }
.Ltmp2:
0x95: {  	v11 =	vadd.f32 v16, v11;
	v16 =	vld [tilespmem:s21+$0x410];
	(pc) =	sbr.rel @p0 .LBB2_6-.Ltmp2, $4  }
0x96: {  	v12 =	vadd.f32 v17, v12;
	v17 =	vld [tilespmem:s21+$0x420]  }
0x97: {  	v13 =	vadd.f32 v18, v13;
	v18 =	vld [tilespmem:s21+$0x430]  }
0x98: {  	s22 =	sadd.s32 $0x100, s22;
	v14 =	vadd.f32 v19, v14;
	v19 =	vld [tilespmem:s21+$0x440]  }
0x99: {  	s25 =	sand.u32 $0x380, s23;
	s23 =	sadd.s32 $0x80, s23;
	s24 =	sand.u32 $0x7800, s22;
	v15 =	vadd.f32 v20, v15;
	v20 =	vld [tilespmem:s21+$0x450]  }
0x9a: {  	s22 =	sor.u32 s25, s24;
	v21 =	vld [tilespmem:s21+$0x460]  }
0x9b: {  	v22 =	vld [tilespmem:s22+$0x470]  }
0x9c: {  	v23 =	vld [tilespmem:s22+$0x0]  }
0x9d: {  	v24 =	vld [tilespmem:s22+$0x10]  }
0x9e: {  	v25 =	vld [tilespmem:s22+$0x20]  }
0x9f: {  	v26 =	vld [tilespmem:s22+$0x30]  }
0xa0: {  	v27 =	vld [tilespmem:s22+$0x40]  }
0xa1: {  	v28 =	vld [tilespmem:s22+$0x50]  }
0xa2: {  	v29 =	vld [tilespmem:s22+$0x60]  }
0xa3: {  	v30 =	vld [tilespmem:s22+$0x70]  }
0xa4: {  	v31 =	vld [tilespmem:s22+$0x400]  }
0xa5: {  	v32 =	vld [tilespmem:s22+$0x410]  }
0xa6: {  	v33 =	vld [tilespmem:s22+$0x420]  }
0xa7: {  	v34 =	vld [tilespmem:s22+$0x430]  }
0xa8: {  	v35 =	vld [tilespmem:s22+$0x440]  }
0xa9: {  	v36 =	vld [tilespmem:s22+$0x450]  }
0xaa: {  	s30 =	simm.s32 $0x0;
	v37 =	vld [tilespmem:s22+$0x460];
	_ =	swait.ge [sflag:s15], $0x8000  }
0xab: {  	s31 =	sand.u32 $0x7800, s30;
	s21 =	sand.u32 $0x380, s30;
	[sflag:s15] =	ssyncset.done $0x0  }
0xac: {  	s21 =	sor.u32 s21, s31;
	[sflag:s15] =	ssyncadd.s32 $0xFFFF8000  }
0xad: {  	v0 =	vadd.f32 v16, v0;
	v1 =	vadd.f32 v17, v1;
	[tilespmem:s30], [sflag:$0x1] =	stream.linear.gather [hbm4b:s7+s30], $0x8000, $0x38;
	[tilespmem:$0x10100] =	vst v63  }
0xae: {  	v2 =	vadd.f32 v18, v2;
	v3 =	vadd.f32 v19, v3;
	v16 =	vld [tilespmem:s21+$0x8470]  }
0xaf: {  	v4 =	vadd.f32 v20, v4;
	v5 =	vadd.f32 v21, v5;
	v17 =	vld [tilespmem:s21+$0x8000]  }
0xb0: {  	v18 =	vld [tilespmem:s21+$0x8010];
	v6 =	vadd.f32 v22, v6;
	v7 =	vadd.f32 v23, v7  }
0xb1: {  	v19 =	vld [tilespmem:s21+$0x8020];
	v8 =	vadd.f32 v24, v8;
	v9 =	vadd.f32 v25, v9  }
0xb2: {  	v20 =	vld [tilespmem:s21+$0x8030];
	v10 =	vadd.f32 v26, v10;
	v11 =	vadd.f32 v27, v11  }
0xb3: {  	v21 =	vld [tilespmem:s21+$0x8040];
	v12 =	vadd.f32 v28, v12;
	v13 =	vadd.f32 v29, v13  }
0xb4: {  	v62 =	vld [tilespmem:s21+$0x8070];
	v14 =	vadd.f32 v30, v14;
	v15 =	vadd.f32 v31, v15  }
0xb5: {  	v63 =	vld [tilespmem:s21+$0x8400];
	v0 =	vadd.f32 v32, v0;
	v1 =	vadd.f32 v33, v1  }
0xb6: {  	v22 =	vld [tilespmem:s21+$0x8050];
	v2 =	vadd.f32 v34, v2;
	v3 =	vadd.f32 v35, v3  }
0xb7: {  	v23 =	vld [tilespmem:s21+$0x8060];
	v4 =	vadd.f32 v36, v4;
	v5 =	vadd.f32 v37, v5  }
0xb8: {  	v6 =	vadd.f32 v16, v6;
	v7 =	vadd.f32 v17, v7;
	v16 =	vld [tilespmem:s21+$0x8410]  }
0xb9: {  	v8 =	vadd.f32 v18, v8;
	v9 =	vadd.f32 v19, v9;
	v17 =	vld [tilespmem:s21+$0x8420]  }
0xba: {  	v10 =	vadd.f32 v20, v10;
	v11 =	vadd.f32 v21, v11;
	v18 =	vld [tilespmem:s21+$0x8430]  }
0xbb: {  	s23 =	simm.s32 $0x80;
	s22 =	simm.s32 $0x100;
	v19 =	vld [tilespmem:s21+$0x8440];
	v14 =	vadd.f32 v62, v14;
	v15 =	vadd.f32 v63, v15  }
0xbc: {  	s25 =	sand.u32 $0x380, s23;
	s23 =	simm.s32 $0x100;
	s24 =	sand.u32 $0x7800, s22;
	v20 =	vld [tilespmem:s21+$0x8450];
	v12 =	vadd.f32 v22, v12;
	v13 =	vadd.f32 v23, v13  }
.LBB2_8:
0xbd: {  	p0 =	sne.s32 s23, $0x3F80;
	v0 =	vadd.f32 v16, v0;
	v16 =	vld [tilespmem:s21+$0x8460];
	s21 =	sor.u32 s25, s24  }
0xbe: {  	v21 =	vld [tilespmem:s21+$0x8470];
	v1 =	vadd.f32 v17, v1  }
0xbf: {  	v17 =	vld [tilespmem:s21+$0x8000];
	v2 =	vadd.f32 v18, v2  }
0xc0: {  	v18 =	vld [tilespmem:s21+$0x8010];
	v3 =	vadd.f32 v19, v3  }
0xc1: {  	v19 =	vld [tilespmem:s21+$0x8020];
	v4 =	vadd.f32 v20, v4  }
0xc2: {  	v20 =	vld [tilespmem:s21+$0x8030];
	v5 =	vadd.f32 v16, v5  }
0xc3: {  	v16 =	vld [tilespmem:s21+$0x8040];
	v6 =	vadd.f32 v21, v6  }
0xc4: {  	v7 =	vadd.f32 v17, v7;
	v17 =	vld [tilespmem:s21+$0x8050]  }
0xc5: {  	v8 =	vadd.f32 v18, v8;
	v18 =	vld [tilespmem:s21+$0x8060]  }
0xc6: {  	v9 =	vadd.f32 v19, v9;
	v19 =	vld [tilespmem:s21+$0x8070]  }
0xc7: {  	v10 =	vadd.f32 v20, v10;
	v20 =	vld [tilespmem:s21+$0x8400]  }
.Ltmp3:
0xc8: {  	v11 =	vadd.f32 v16, v11;
	v16 =	vld [tilespmem:s21+$0x8410];
	(pc) =	sbr.rel @p0 .LBB2_8-.Ltmp3, $4  }
0xc9: {  	v12 =	vadd.f32 v17, v12;
	v17 =	vld [tilespmem:s21+$0x8420]  }
0xca: {  	v13 =	vadd.f32 v18, v13;
	v18 =	vld [tilespmem:s21+$0x8430]  }
0xcb: {  	s22 =	sadd.s32 $0x100, s22;
	v14 =	vadd.f32 v19, v14;
	v19 =	vld [tilespmem:s21+$0x8440]  }
0xcc: {  	s25 =	sand.u32 $0x380, s23;
	s23 =	sadd.s32 $0x80, s23;
	s24 =	sand.u32 $0x7800, s22;
	v15 =	vadd.f32 v20, v15;
	v20 =	vld [tilespmem:s21+$0x8450]  }
0xcd: {  	s22 =	sor.u32 s25, s24;
	v21 =	vld [tilespmem:s21+$0x8460]  }
0xce: {  	v22 =	vld [tilespmem:s22+$0x8470]  }
0xcf: {  	v23 =	vld [tilespmem:s22+$0x8000]  }
0xd0: {  	v24 =	vld [tilespmem:s22+$0x8010]  }
0xd1: {  	v25 =	vld [tilespmem:s22+$0x8020]  }
0xd2: {  	v26 =	vld [tilespmem:s22+$0x8030]  }
0xd3: {  	v27 =	vld [tilespmem:s22+$0x8040]  }
0xd4: {  	v28 =	vld [tilespmem:s22+$0x8050]  }
0xd5: {  	v29 =	vld [tilespmem:s22+$0x8060]  }
0xd6: {  	v30 =	vld [tilespmem:s22+$0x8070]  }
0xd7: {  	v31 =	vld [tilespmem:s22+$0x8400]  }
0xd8: {  	v32 =	vld [tilespmem:s22+$0x8410]  }
0xd9: {  	v33 =	vld [tilespmem:s22+$0x8420]  }
0xda: {  	v34 =	vld [tilespmem:s22+$0x8430]  }
0xdb: {  	v35 =	vld [tilespmem:s22+$0x8440]  }
0xdc: {  	v36 =	vld [tilespmem:s22+$0x8450]  }
0xdd: {  	s30 =	simm.s32 $0x0;
	v37 =	vld [tilespmem:s22+$0x8460];
	_ =	swait.ge [sflag:s13], $0x8000  }
0xde: {  	s31 =	sand.u32 $0x7800, s30;
	s21 =	sand.u32 $0x380, s30;
	[sflag:s13] =	ssyncset.done $0x0  }
0xdf: {  	s21 =	sor.u32 s21, s31;
	[sflag:s13] =	ssyncadd.s32 $0xFFFF8000  }
0xe0: {  	v0 =	vadd.f32 v16, v0;
	v1 =	vadd.f32 v17, v1;
	[tilespmem:s14], [sflag:$0x2] =	stream.linear.gather [hbm4b:s8+s30], $0x8000, $0x38;
	[tilespmem:$0x10100] =	vst v63  }
0xe1: {  	v2 =	vadd.f32 v18, v2;
	v3 =	vadd.f32 v19, v3;
	v16 =	vld [tilespmem:s21+$0x470]  }
0xe2: {  	v4 =	vadd.f32 v20, v4;
	v5 =	vadd.f32 v21, v5;
	v17 =	vld [tilespmem:s21+$0x0]  }
0xe3: {  	v18 =	vld [tilespmem:s21+$0x10];
	v6 =	vadd.f32 v22, v6;
	v7 =	vadd.f32 v23, v7  }
0xe4: {  	v19 =	vld [tilespmem:s21+$0x20];
	v8 =	vadd.f32 v24, v8;
	v9 =	vadd.f32 v25, v9  }
0xe5: {  	v20 =	vld [tilespmem:s21+$0x30];
	v10 =	vadd.f32 v26, v10;
	v11 =	vadd.f32 v27, v11  }
0xe6: {  	v21 =	vld [tilespmem:s21+$0x40];
	v12 =	vadd.f32 v28, v12;
	v13 =	vadd.f32 v29, v13  }
0xe7: {  	v62 =	vld [tilespmem:s21+$0x70];
	v14 =	vadd.f32 v30, v14;
	v15 =	vadd.f32 v31, v15  }
0xe8: {  	v63 =	vld [tilespmem:s21+$0x400];
	v0 =	vadd.f32 v32, v0;
	v1 =	vadd.f32 v33, v1  }
0xe9: {  	v22 =	vld [tilespmem:s21+$0x50];
	v2 =	vadd.f32 v34, v2;
	v3 =	vadd.f32 v35, v3  }
0xea: {  	v23 =	vld [tilespmem:s21+$0x60];
	v4 =	vadd.f32 v36, v4;
	v5 =	vadd.f32 v37, v5  }
0xeb: {  	v6 =	vadd.f32 v16, v6;
	v7 =	vadd.f32 v17, v7;
	v16 =	vld [tilespmem:s21+$0x410]  }
0xec: {  	v8 =	vadd.f32 v18, v8;
	v9 =	vadd.f32 v19, v9;
	v17 =	vld [tilespmem:s21+$0x420]  }
0xed: {  	v10 =	vadd.f32 v20, v10;
	v11 =	vadd.f32 v21, v11;
	v18 =	vld [tilespmem:s21+$0x430]  }
0xee: {  	s23 =	simm.s32 $0x80;
	s22 =	simm.s32 $0x100;
	v19 =	vld [tilespmem:s21+$0x440];
	v14 =	vadd.f32 v62, v14;
	v15 =	vadd.f32 v63, v15  }
0xef: {  	s25 =	sand.u32 $0x380, s23;
	s23 =	simm.s32 $0x100;
	s24 =	sand.u32 $0x7800, s22;
	v20 =	vld [tilespmem:s21+$0x450];
	v12 =	vadd.f32 v22, v12;
	v13 =	vadd.f32 v23, v13  }
.LBB2_10:
0xf0: {  	p0 =	sne.s32 s23, $0x3F80;
	v0 =	vadd.f32 v16, v0;
	v16 =	vld [tilespmem:s21+$0x460];
	s21 =	sor.u32 s25, s24  }
0xf1: {  	v21 =	vld [tilespmem:s21+$0x470];
	v1 =	vadd.f32 v17, v1  }
0xf2: {  	v17 =	vld [tilespmem:s21+$0x0];
	v2 =	vadd.f32 v18, v2  }
0xf3: {  	v18 =	vld [tilespmem:s21+$0x10];
	v3 =	vadd.f32 v19, v3  }
0xf4: {  	v19 =	vld [tilespmem:s21+$0x20];
	v4 =	vadd.f32 v20, v4  }
0xf5: {  	v20 =	vld [tilespmem:s21+$0x30];
	v5 =	vadd.f32 v16, v5  }
0xf6: {  	v16 =	vld [tilespmem:s21+$0x40];
	v6 =	vadd.f32 v21, v6  }
0xf7: {  	v7 =	vadd.f32 v17, v7;
	v17 =	vld [tilespmem:s21+$0x50]  }
0xf8: {  	v8 =	vadd.f32 v18, v8;
	v18 =	vld [tilespmem:s21+$0x60]  }
0xf9: {  	v9 =	vadd.f32 v19, v9;
	v19 =	vld [tilespmem:s21+$0x70]  }
0xfa: {  	v10 =	vadd.f32 v20, v10;
	v20 =	vld [tilespmem:s21+$0x400]  }
.Ltmp4:
0xfb: {  	v11 =	vadd.f32 v16, v11;
	v16 =	vld [tilespmem:s21+$0x410];
	(pc) =	sbr.rel @p0 .LBB2_10-.Ltmp4, $4  }
0xfc: {  	v12 =	vadd.f32 v17, v12;
	v17 =	vld [tilespmem:s21+$0x420]  }
0xfd: {  	v13 =	vadd.f32 v18, v13;
	v18 =	vld [tilespmem:s21+$0x430]  }
0xfe: {  	s22 =	sadd.s32 $0x100, s22;
	v14 =	vadd.f32 v19, v14;
	v19 =	vld [tilespmem:s21+$0x440]  }
0xff: {  	s25 =	sand.u32 $0x380, s23;
	s23 =	sadd.s32 $0x80, s23;
	s24 =	sand.u32 $0x7800, s22;
	v15 =	vadd.f32 v20, v15;
	v20 =	vld [tilespmem:s21+$0x450]  }
0x100: {  	s22 =	sor.u32 s25, s24;
	v21 =	vld [tilespmem:s21+$0x460]  }
0x101: {  	v22 =	vld [tilespmem:s22+$0x470]  }
0x102: {  	v23 =	vld [tilespmem:s22+$0x0]  }
0x103: {  	v24 =	vld [tilespmem:s22+$0x10]  }
0x104: {  	v25 =	vld [tilespmem:s22+$0x20]  }
0x105: {  	v26 =	vld [tilespmem:s22+$0x30]  }
0x106: {  	v27 =	vld [tilespmem:s22+$0x40]  }
0x107: {  	v28 =	vld [tilespmem:s22+$0x50]  }
0x108: {  	v29 =	vld [tilespmem:s22+$0x60]  }
0x109: {  	v30 =	vld [tilespmem:s22+$0x70]  }
0x10a: {  	v31 =	vld [tilespmem:s22+$0x400]  }
0x10b: {  	v32 =	vld [tilespmem:s22+$0x410]  }
0x10c: {  	v33 =	vld [tilespmem:s22+$0x420]  }
0x10d: {  	v34 =	vld [tilespmem:s22+$0x430]  }
0x10e: {  	v35 =	vld [tilespmem:s22+$0x440]  }
0x10f: {  	v36 =	vld [tilespmem:s22+$0x450]  }
0x110: {  	s30 =	simm.s32 $0x0;
	v37 =	vld [tilespmem:s22+$0x460];
	_ =	swait.ge [sflag:s15], $0x8000  }
0x111: {  	s31 =	sand.u32 $0x7800, s30;
	s21 =	sand.u32 $0x380, s30;
	[sflag:s15] =	ssyncset.done $0x0  }
0x112: {  	s21 =	sor.u32 s21, s31;
	[sflag:s15] =	ssyncadd.s32 $0xFFFF8000  }
0x113: {  	v0 =	vadd.f32 v16, v0;
	v1 =	vadd.f32 v17, v1;
	[tilespmem:s30], [sflag:$0x1] =	stream.linear.gather [hbm4b:s9+s30], $0x8000, $0x38;
	[tilespmem:$0x10100] =	vst v63  }
0x114: {  	v2 =	vadd.f32 v18, v2;
	v3 =	vadd.f32 v19, v3;
	v16 =	vld [tilespmem:s21+$0x8470]  }
0x115: {  	v4 =	vadd.f32 v20, v4;
	v5 =	vadd.f32 v21, v5;
	v17 =	vld [tilespmem:s21+$0x8000]  }
0x116: {  	v18 =	vld [tilespmem:s21+$0x8010];
	v6 =	vadd.f32 v22, v6;
	v7 =	vadd.f32 v23, v7  }
0x117: {  	v19 =	vld [tilespmem:s21+$0x8020];
	v8 =	vadd.f32 v24, v8;
	v9 =	vadd.f32 v25, v9  }
0x118: {  	v20 =	vld [tilespmem:s21+$0x8030];
	v10 =	vadd.f32 v26, v10;
	v11 =	vadd.f32 v27, v11  }
0x119: {  	v21 =	vld [tilespmem:s21+$0x8040];
	v12 =	vadd.f32 v28, v12;
	v13 =	vadd.f32 v29, v13  }
0x11a: {  	v62 =	vld [tilespmem:s21+$0x8070];
	v14 =	vadd.f32 v30, v14;
	v15 =	vadd.f32 v31, v15  }
0x11b: {  	v63 =	vld [tilespmem:s21+$0x8400];
	v0 =	vadd.f32 v32, v0;
	v1 =	vadd.f32 v33, v1  }
0x11c: {  	v22 =	vld [tilespmem:s21+$0x8050];
	v2 =	vadd.f32 v34, v2;
	v3 =	vadd.f32 v35, v3  }
0x11d: {  	v23 =	vld [tilespmem:s21+$0x8060];
	v4 =	vadd.f32 v36, v4;
	v5 =	vadd.f32 v37, v5  }
0x11e: {  	v6 =	vadd.f32 v16, v6;
	v7 =	vadd.f32 v17, v7;
	v16 =	vld [tilespmem:s21+$0x8410]  }
0x11f: {  	v8 =	vadd.f32 v18, v8;
	v9 =	vadd.f32 v19, v9;
	v17 =	vld [tilespmem:s21+$0x8420]  }
0x120: {  	v10 =	vadd.f32 v20, v10;
	v11 =	vadd.f32 v21, v11;
	v18 =	vld [tilespmem:s21+$0x8430]  }
0x121: {  	s23 =	simm.s32 $0x80;
	s22 =	simm.s32 $0x100;
	v19 =	vld [tilespmem:s21+$0x8440];
	v14 =	vadd.f32 v62, v14;
	v15 =	vadd.f32 v63, v15  }
0x122: {  	s25 =	sand.u32 $0x380, s23;
	s23 =	simm.s32 $0x100;
	s24 =	sand.u32 $0x7800, s22;
	v20 =	vld [tilespmem:s21+$0x8450];
	v12 =	vadd.f32 v22, v12;
	v13 =	vadd.f32 v23, v13  }
.LBB2_12:
0x123: {  	p0 =	sne.s32 s23, $0x3F80;
	v0 =	vadd.f32 v16, v0;
	v16 =	vld [tilespmem:s21+$0x8460];
	s21 =	sor.u32 s25, s24  }
0x124: {  	v21 =	vld [tilespmem:s21+$0x8470];
	v1 =	vadd.f32 v17, v1  }
0x125: {  	v17 =	vld [tilespmem:s21+$0x8000];
	v2 =	vadd.f32 v18, v2  }
0x126: {  	v18 =	vld [tilespmem:s21+$0x8010];
	v3 =	vadd.f32 v19, v3  }
0x127: {  	v19 =	vld [tilespmem:s21+$0x8020];
	v4 =	vadd.f32 v20, v4  }
0x128: {  	v20 =	vld [tilespmem:s21+$0x8030];
	v5 =	vadd.f32 v16, v5  }
0x129: {  	v16 =	vld [tilespmem:s21+$0x8040];
	v6 =	vadd.f32 v21, v6  }
0x12a: {  	v7 =	vadd.f32 v17, v7;
	v17 =	vld [tilespmem:s21+$0x8050]  }
0x12b: {  	v8 =	vadd.f32 v18, v8;
	v18 =	vld [tilespmem:s21+$0x8060]  }
0x12c: {  	v9 =	vadd.f32 v19, v9;
	v19 =	vld [tilespmem:s21+$0x8070]  }
0x12d: {  	v10 =	vadd.f32 v20, v10;
	v20 =	vld [tilespmem:s21+$0x8400]  }
.Ltmp5:
0x12e: {  	v11 =	vadd.f32 v16, v11;
	v16 =	vld [tilespmem:s21+$0x8410];
	(pc) =	sbr.rel @p0 .LBB2_12-.Ltmp5, $4  }
0x12f: {  	v12 =	vadd.f32 v17, v12;
	v17 =	vld [tilespmem:s21+$0x8420]  }
0x130: {  	v13 =	vadd.f32 v18, v13;
	v18 =	vld [tilespmem:s21+$0x8430]  }
0x131: {  	s22 =	sadd.s32 $0x100, s22;
	v14 =	vadd.f32 v19, v14;
	v19 =	vld [tilespmem:s21+$0x8440]  }
0x132: {  	s25 =	sand.u32 $0x380, s23;
	s23 =	sadd.s32 $0x80, s23;
	s24 =	sand.u32 $0x7800, s22;
	v15 =	vadd.f32 v20, v15;
	v20 =	vld [tilespmem:s21+$0x8450]  }
0x133: {  	s22 =	sor.u32 s25, s24;
	v21 =	vld [tilespmem:s21+$0x8460]  }
0x134: {  	v22 =	vld [tilespmem:s22+$0x8470]  }
0x135: {  	v23 =	vld [tilespmem:s22+$0x8000]  }
0x136: {  	v24 =	vld [tilespmem:s22+$0x8010]  }
0x137: {  	v25 =	vld [tilespmem:s22+$0x8020]  }
0x138: {  	v26 =	vld [tilespmem:s22+$0x8030]  }
0x139: {  	v27 =	vld [tilespmem:s22+$0x8040]  }
0x13a: {  	v28 =	vld [tilespmem:s22+$0x8050]  }
0x13b: {  	v29 =	vld [tilespmem:s22+$0x8060]  }
0x13c: {  	v30 =	vld [tilespmem:s22+$0x8070]  }
0x13d: {  	v31 =	vld [tilespmem:s22+$0x8400]  }
0x13e: {  	v32 =	vld [tilespmem:s22+$0x8410]  }
0x13f: {  	v33 =	vld [tilespmem:s22+$0x8420]  }
0x140: {  	v34 =	vld [tilespmem:s22+$0x8430]  }
0x141: {  	v35 =	vld [tilespmem:s22+$0x8440]  }
0x142: {  	v36 =	vld [tilespmem:s22+$0x8450]  }
0x143: {  	s30 =	simm.s32 $0x0;
	v37 =	vld [tilespmem:s22+$0x8460];
	_ =	swait.ge [sflag:s13], $0x8000  }
0x144: {  	s31 =	sand.u32 $0x7800, s30;
	s21 =	sand.u32 $0x380, s30;
	[sflag:s13] =	ssyncset.done $0x0  }
0x145: {  	s21 =	sor.u32 s21, s31;
	[sflag:s13] =	ssyncadd.s32 $0xFFFF8000  }
0x146: {  	v0 =	vadd.f32 v16, v0;
	v1 =	vadd.f32 v17, v1;
	[tilespmem:s14], [sflag:$0x2] =	stream.linear.gather [hbm4b:s10+s30], $0x8000, $0x38;
	[tilespmem:$0x10100] =	vst v63  }
0x147: {  	v2 =	vadd.f32 v18, v2;
	v3 =	vadd.f32 v19, v3;
	v16 =	vld [tilespmem:s21+$0x470]  }
0x148: {  	v4 =	vadd.f32 v20, v4;
	v5 =	vadd.f32 v21, v5;
	v17 =	vld [tilespmem:s21+$0x0]  }
0x149: {  	v18 =	vld [tilespmem:s21+$0x10];
	v6 =	vadd.f32 v22, v6;
	v7 =	vadd.f32 v23, v7  }
0x14a: {  	v19 =	vld [tilespmem:s21+$0x20];
	v8 =	vadd.f32 v24, v8;
	v9 =	vadd.f32 v25, v9  }
0x14b: {  	v21 =	vld [tilespmem:s21+$0x30];
	v10 =	vadd.f32 v26, v10;
	v20 =	vadd.f32 v27, v11  }
0x14c: {  	v60 =	vld [tilespmem:s21+$0x50];
	v22 =	vadd.f32 v28, v12;
	v13 =	vadd.f32 v29, v13  }
0x14d: {  	v61 =	vld [tilespmem:s21+$0x60];
	v14 =	vadd.f32 v30, v14;
	v15 =	vadd.f32 v31, v15  }
0x14e: {  	v62 =	vld [tilespmem:s21+$0x70];
	v11 =	vadd.f32 v32, v0;
	v12 =	vadd.f32 v33, v1  }
0x14f: {  	v63 =	vld [tilespmem:s21+$0x400];
	v0 =	vadd.f32 v34, v2;
	v1 =	vadd.f32 v35, v3  }
0x150: {  	v23 =	vld [tilespmem:s21+$0x40];
	v2 =	vadd.f32 v36, v4;
	v3 =	vadd.f32 v37, v5  }
0x151: {  	v4 =	vadd.f32 v16, v6;
	v5 =	vadd.f32 v17, v7;
	v16 =	vld [tilespmem:s21+$0x410]  }
0x152: {  	v6 =	vadd.f32 v18, v8;
	v7 =	vadd.f32 v19, v9;
	v17 =	vld [tilespmem:s21+$0x420]  }
0x153: {  	v8 =	vadd.f32 v21, v10;
	v18 =	vld [tilespmem:s21+$0x430];
	v10 =	vadd.f32 v60, v22  }
0x154: {  	s23 =	simm.s32 $0x80;
	s22 =	simm.s32 $0x100;
	v13 =	vadd.f32 v61, v13;
	v19 =	vld [tilespmem:s21+$0x440];
	v14 =	vadd.f32 v62, v14  }
0x155: {  	s25 =	sand.u32 $0x380, s23;
	s23 =	simm.s32 $0x100;
	s24 =	sand.u32 $0x7800, s22;
	v15 =	vadd.f32 v63, v15;
	v9 =	vadd.f32 v23, v20;
	v20 =	vld [tilespmem:s21+$0x450]  }
.LBB2_14:
0x156: {  	p0 =	sne.s32 s23, $0x3F80;
	v11 =	vadd.f32 v16, v11;
	v16 =	vld [tilespmem:s21+$0x460];
	s21 =	sor.u32 s25, s24  }
0x157: {  	v21 =	vld [tilespmem:s21+$0x470];
	v12 =	vadd.f32 v17, v12  }
0x158: {  	v17 =	vld [tilespmem:s21+$0x0];
	v0 =	vadd.f32 v18, v0  }
0x159: {  	v18 =	vld [tilespmem:s21+$0x10];
	v1 =	vadd.f32 v19, v1  }
0x15a: {  	v19 =	vld [tilespmem:s21+$0x20];
	v2 =	vadd.f32 v20, v2  }
0x15b: {  	v20 =	vld [tilespmem:s21+$0x30];
	v3 =	vadd.f32 v16, v3  }
0x15c: {  	v16 =	vld [tilespmem:s21+$0x40];
	v4 =	vadd.f32 v21, v4  }
0x15d: {  	v5 =	vadd.f32 v17, v5;
	v17 =	vld [tilespmem:s21+$0x50]  }
0x15e: {  	v6 =	vadd.f32 v18, v6;
	v18 =	vld [tilespmem:s21+$0x60]  }
0x15f: {  	v7 =	vadd.f32 v19, v7;
	v19 =	vld [tilespmem:s21+$0x70]  }
0x160: {  	v8 =	vadd.f32 v20, v8;
	v20 =	vld [tilespmem:s21+$0x400]  }
.Ltmp6:
0x161: {  	v9 =	vadd.f32 v16, v9;
	v16 =	vld [tilespmem:s21+$0x410];
	(pc) =	sbr.rel @p0 .LBB2_14-.Ltmp6, $4  }
0x162: {  	v10 =	vadd.f32 v17, v10;
	v17 =	vld [tilespmem:s21+$0x420]  }
0x163: {  	v13 =	vadd.f32 v18, v13;
	v18 =	vld [tilespmem:s21+$0x430]  }
0x164: {  	s22 =	sadd.s32 $0x100, s22;
	v14 =	vadd.f32 v19, v14;
	v19 =	vld [tilespmem:s21+$0x440]  }
0x165: {  	s25 =	sand.u32 $0x380, s23;
	s23 =	sadd.s32 $0x80, s23;
	s24 =	sand.u32 $0x7800, s22;
	v15 =	vadd.f32 v20, v15;
	v20 =	vld [tilespmem:s21+$0x450]  }
0x166: {  	s22 =	sor.u32 s25, s24;
	v21 =	vld [tilespmem:s21+$0x460]  }
0x167: {  	v22 =	vld [tilespmem:s22+$0x470]  }
0x168: {  	v23 =	vld [tilespmem:s22+$0x0]  }
0x169: {  	v24 =	vld [tilespmem:s22+$0x10]  }
0x16a: {  	v25 =	vld [tilespmem:s22+$0x20]  }
0x16b: {  	v26 =	vld [tilespmem:s22+$0x30]  }
0x16c: {  	v27 =	vld [tilespmem:s22+$0x40]  }
0x16d: {  	v28 =	vld [tilespmem:s22+$0x50]  }
0x16e: {  	v29 =	vld [tilespmem:s22+$0x60]  }
0x16f: {  	v30 =	vld [tilespmem:s22+$0x70]  }
0x170: {  	v31 =	vld [tilespmem:s22+$0x400]  }
0x171: {  	v32 =	vld [tilespmem:s22+$0x410]  }
0x172: {  	v33 =	vld [tilespmem:s22+$0x420]  }
0x173: {  	v34 =	vld [tilespmem:s22+$0x430]  }
0x174: {  	v35 =	vld [tilespmem:s22+$0x440]  }
0x175: {  	v36 =	vld [tilespmem:s22+$0x450]  }
0x176: {  	s30 =	simm.s32 $0x0;
	v37 =	vld [tilespmem:s22+$0x460];
	_ =	swait.ge [sflag:s15], $0x8000  }
0x177: {  	s31 =	sand.u32 $0x7800, s30;
	s21 =	sand.u32 $0x380, s30;
	[sflag:s15] =	ssyncset.done $0x0  }
0x178: {  	v11 =	vadd.f32 v16, v11;
	v12 =	vadd.f32 v17, v12;
	s21 =	sor.u32 s21, s31;
	[sflag:s15] =	ssyncadd.s32 $0xFFFF8000  }
0x179: {  	v0 =	vadd.f32 v18, v0;
	v1 =	vadd.f32 v19, v1;
	v16 =	vld [tilespmem:s21+$0x8470]  }
0x17a: {  	v2 =	vadd.f32 v20, v2;
	v18 =	vld [tilespmem:s21+$0x8000];
	v17 =	vadd.f32 v21, v3  }
0x17b: {  	v56 =	vld [tilespmem:s21+$0x8030];
	v19 =	vadd.f32 v22, v4;
	v20 =	vadd.f32 v23, v5  }
0x17c: {  	v57 =	vld [tilespmem:s21+$0x8040];
	v22 =	vadd.f32 v24, v6;
	v7 =	vadd.f32 v25, v7  }
0x17d: {  	v60 =	vld [tilespmem:s21+$0x8050];
	v8 =	vadd.f32 v26, v8;
	v9 =	vadd.f32 v27, v9  }
0x17e: {  	v61 =	vld [tilespmem:s21+$0x8060];
	v10 =	vadd.f32 v28, v10;
	v13 =	vadd.f32 v29, v13  }
0x17f: {  	v62 =	vld [tilespmem:s21+$0x8070];
	v58 =	vadd.f32 v30, v14;
	v59 =	vadd.f32 v31, v15  }
0x180: {  	v21 =	vld [tilespmem:s21+$0x8010];
	v6 =	vadd.f32 v32, v11;
	v5 =	vadd.f32 v33, v12  }
0x181: {  	v23 =	vld [tilespmem:s21+$0x8020];
	v4 =	vadd.f32 v34, v0;
	v3 =	vadd.f32 v35, v1  }
0x182: {  	v63 =	vld [tilespmem:s21+$0x8400];
	v2 =	vadd.f32 v36, v2;
	v1 =	vadd.f32 v37, v17  }
0x183: {  	v0 =	vadd.f32 v16, v19;
	v14 =	vadd.f32 v18, v20;
	v19 =	vld [tilespmem:s21+$0x8410]  }
0x184: {  	v16 =	vld [tilespmem:s21+$0x8420];
	v12 =	vadd.f32 v56, v8;
	v8 =	vadd.f32 v60, v10  }
0x185: {  	v17 =	vld [tilespmem:s21+$0x8430];
	v10 =	vadd.f32 v62, v58;
	v15 =	vadd.f32 v21, v22  }
0x186: {  	s23 =	simm.s32 $0x80;
	s22 =	simm.s32 $0x100;
	v18 =	vld [tilespmem:s21+$0x8440];
	v11 =	vadd.f32 v23, v7;
	v7 =	vadd.f32 v57, v9  }
0x187: {  	s25 =	sand.u32 $0x380, s23;
	s23 =	simm.s32 $0x100;
	s24 =	sand.u32 $0x7800, s22;
	v20 =	vld [tilespmem:s21+$0x8450];
	v9 =	vadd.f32 v61, v13;
	v13 =	vadd.f32 v63, v59  }
.LBB2_16:
0x188: {  	p0 =	sne.s32 s23, $0x3F80;
	v6 =	vadd.f32 v19, v6;
	v19 =	vld [tilespmem:s21+$0x8460];
	s21 =	sor.u32 s25, s24  }
0x189: {  	v21 =	vld [tilespmem:s21+$0x8470];
	v5 =	vadd.f32 v16, v5  }
0x18a: {  	v16 =	vld [tilespmem:s21+$0x8000];
	v4 =	vadd.f32 v17, v4  }
0x18b: {  	v17 =	vld [tilespmem:s21+$0x8010];
	v3 =	vadd.f32 v18, v3  }
0x18c: {  	v18 =	vld [tilespmem:s21+$0x8020];
	v2 =	vadd.f32 v20, v2  }
0x18d: {  	v20 =	vld [tilespmem:s21+$0x8030];
	v1 =	vadd.f32 v19, v1  }
0x18e: {  	v19 =	vld [tilespmem:s21+$0x8040];
	v0 =	vadd.f32 v21, v0  }
0x18f: {  	v14 =	vadd.f32 v16, v14;
	v16 =	vld [tilespmem:s21+$0x8050]  }
0x190: {  	v15 =	vadd.f32 v17, v15;
	v17 =	vld [tilespmem:s21+$0x8060]  }
0x191: {  	v11 =	vadd.f32 v18, v11;
	v18 =	vld [tilespmem:s21+$0x8070]  }
0x192: {  	v12 =	vadd.f32 v20, v12;
	v20 =	vld [tilespmem:s21+$0x8400]  }
.Ltmp7:
0x193: {  	v7 =	vadd.f32 v19, v7;
	v19 =	vld [tilespmem:s21+$0x8410];
	(pc) =	sbr.rel @p0 .LBB2_16-.Ltmp7, $4  }
0x194: {  	v8 =	vadd.f32 v16, v8;
	v16 =	vld [tilespmem:s21+$0x8420]  }
0x195: {  	v9 =	vadd.f32 v17, v9;
	v17 =	vld [tilespmem:s21+$0x8430]  }
0x196: {  	s22 =	sadd.s32 $0x100, s22;
	v10 =	vadd.f32 v18, v10;
	v18 =	vld [tilespmem:s21+$0x8440]  }
0x197: {  	s25 =	sand.u32 $0x380, s23;
	s23 =	sadd.s32 $0x80, s23;
	s24 =	sand.u32 $0x7800, s22;
	v13 =	vadd.f32 v20, v13;
	v20 =	vld [tilespmem:s21+$0x8450]  }
0x198: {  	s22 =	sor.u32 s25, s24;
	v21 =	vld [tilespmem:s21+$0x8460]  }
0x199: {  	v22 =	vld [tilespmem:s22+$0x8470]  }
0x19a: {  	v23 =	vld [tilespmem:s22+$0x8000]  }
0x19b: {  	v24 =	vld [tilespmem:s22+$0x8010]  }
0x19c: {  	v25 =	vld [tilespmem:s22+$0x8020]  }
0x19d: {  	v26 =	vld [tilespmem:s22+$0x8030]  }
0x19e: {  	v27 =	vld [tilespmem:s22+$0x8040]  }
0x19f: {  	v28 =	vld [tilespmem:s22+$0x8050]  }
0x1a0: {  	v29 =	vld [tilespmem:s22+$0x8060]  }
0x1a1: {  	v30 =	vld [tilespmem:s22+$0x8070]  }
0x1a2: {  	v31 =	vld [tilespmem:s22+$0x8400]  }
0x1a3: {  	v32 =	vld [tilespmem:s22+$0x8410]  }
0x1a4: {  	v33 =	vld [tilespmem:s22+$0x8420]  }
0x1a5: {  	v34 =	vld [tilespmem:s22+$0x8430]  }
0x1a6: {  	v35 =	vld [tilespmem:s22+$0x8440];
	v14 =	vadd.f32 v23, v14  }
0x1a7: {  	v60 =	vld [tilespmem:s22+$0x8450];
	v15 =	vadd.f32 v24, v15  }
0x1a8: {  	v61 =	vld [tilespmem:s22+$0x8460];
	v11 =	vadd.f32 v25, v11;
	[tilespmem:$0x10000] =	vst v14  }
0x1a9: {  	v12 =	vadd.f32 v26, v12;
	[tilespmem:$0x10010] =	vst v15  }
0x1aa: {  	v7 =	vadd.f32 v27, v7;
	[tilespmem:$0x10020] =	vst v11  }
0x1ab: {  	v8 =	vadd.f32 v28, v8;
	[tilespmem:$0x10030] =	vst v12  }
0x1ac: {  	v9 =	vadd.f32 v29, v9;
	[tilespmem:$0x10040] =	vst v7  }
0x1ad: {  	v6 =	vadd.f32 v19, v6;
	v62 =	vadd.f32 v30, v10;
	[tilespmem:$0x10050] =	vst v8  }
0x1ae: {  	v5 =	vadd.f32 v16, v5;
	v63 =	vadd.f32 v31, v13;
	[tilespmem:$0x10060] =	vst v9  }
0x1af: {  	v4 =	vadd.f32 v17, v4;
	v6 =	vadd.f32 v32, v6;
	[tilespmem:$0x10070] =	vst v62  }
0x1b0: {  	v3 =	vadd.f32 v18, v3;
	v5 =	vadd.f32 v33, v5;
	[tilespmem:$0x10080] =	vst v63  }
0x1b1: {  	v2 =	vadd.f32 v20, v2;
	v4 =	vadd.f32 v34, v4;
	[tilespmem:$0x10090] =	vst v6  }
0x1b2: {  	v3 =	vadd.f32 v35, v3;
	[tilespmem:$0x100A0] =	vst v5  }
0x1b3: {  	v1 =	vadd.f32 v21, v1;
	v2 =	vadd.f32 v60, v2;
	[tilespmem:$0x100B0] =	vst v4  }
0x1b4: {  	v0 =	vadd.f32 v22, v0;
	[tilespmem:$0x100C0] =	vst v3  }
0x1b5: {  	s20 =	sadd.s32 $0x1, s20;
	v1 =	vadd.f32 v61, v1;
	[tilespmem:$0x100D0] =	vst v2  }
0x1b6: {  	p0 =	sne.s32 s20, s12;
	[tilespmem:$0x100F0] =	vst v0  }
.Ltmp8:
0x1b7: {  	[tilespmem:$0x100E0] =	vst v1;
	(pc) =	sbr.rel @p0 .LBB2_1-.Ltmp8, $4  }
0x1b8: {  	[hbm4b:s11+s16] =	stream.strided.scatter [tilespmem:s18], [sflag:$0x3], $0x100, s17, s16, $0x38;
	[tilespmem:$0x10100] =	vst v63  }
0x1b9: {  	_ =	swait.ge [sflag:s19], $0x100  }
0x1ba: {  	[sflag:s19] =	ssyncset.done $0x0  }
0x1bb: {  	[sflag:s19] =	ssyncadd.s32 $0xFFFFFF00  }
0x1bc: {  	_ =	sfence.sel $0x180000  }
0x1bd: {  	[bflag:$0x0] =	sbarrier.arrive $0xFFFF  }
0x1be: {  	p0 =	sne.s32 s1, $0x0;
	_ =	strace $0x90000047  }
0x1bf: {  	s0 =	sadd.s32 @!p0 $0x100000, s0;
	[bflag:$0x2] =	sbarrier.arrive $0xFFFF  }
0x1c0: {  	[sflag:s0] =	ssyncadd.tile.s32 @!p0 $0x1;
	_ =	shalt  }
.Lfunc_end2:
_tile_overlayer_lowered:
.L_overlay_start_2:
0x1c1: {  	(tag) =	ssettag $0x2  }
0x1c2: {  	s0 =	rddreg [dreg:$0x0];
	s2 =	stileid.u32  }
0x1c3: {  	s1 =	rddreg [dreg:$0x1];
	p0 =	sne.s32 s2, $0x0  }
0x1c4: {  	s3 =	rddreg [dreg:$0x2];
	[bflag:$0x3] =	sbarrier.arrive $0xFFFF;
	s2 =	simm.s32 @!p0 $0x1C03  }
0x1c5: {  	[timem:s3], [sflag:s2] =	dma.local @!p0 [hbm:s0], s1  }
0x1c6: {  	s0 =	simm.s32 @!p0 $0x3  }
0x1c7: {  	_ =	swait.ge @!p0 [sflag:s0], s1  }
0x1c8: {  	s1 =	ssub.s32 @!p0 $0x0, s1;
	[sflag:s0] =	ssyncset.done @!p0 $0x0  }
0x1c9: {  	[sflag:s0] =	ssyncadd.s32 @!p0 s1  }
0x1ca: {  	[bflag:$0x3] =	sbarrier.arrive $0xFFFF  }
0x1cb: {  	_ =	shalt  }

</sc_bundles>
